<compile_context>
chip_gen: v7x
topology: tpu7x:2x2x1
jax: 0.10.2.dev20260603
libtpu: 0.0.44.dev20260713+nightly
codegen_flags: <defaults>
</compile_context>

<pallas_src>
import functools

import jax
import jax.numpy as jnp
from jax import lax
from jax.experimental import pallas as pl
from jax.experimental.pallas import tpu as pltpu
from jax.experimental.pallas import tpu_sc as plsc

COLUMN_COUNT = 65536
CELLS_PER_COLUMN = 32
NUM_CELLS = COLUMN_COUNT * CELLS_PER_COLUMN

NUM_WORKERS = 32
COLS_PER_W = COLUMN_COUNT // NUM_WORKERS
CELLS_PER_W = COLS_PER_W * CELLS_PER_COLUMN
LANES = 16

NCHUNK = 4
CHUNK_COLS = COLS_PER_W // NCHUNK
CHUNK_CELLS = CHUNK_COLS * CELLS_PER_COLUMN

_mesh = plsc.VectorSubcoreMesh(core_axis_name="c", subcore_axis_name="s")


@functools.partial(
    pl.kernel,
    mesh=_mesh,
    compiler_params=pltpu.CompilerParams(
        needs_layout_passes=False,
        disable_bounds_checks=True,
        skip_device_barrier=True,
    ),
    out_type=jax.ShapeDtypeStruct((NUM_CELLS,), jnp.float32),
    scratch_types=[
        pltpu.VMEM((COLS_PER_W,), jnp.float32),
        pltpu.VMEM((CHUNK_CELLS,), jnp.float32),
        pltpu.VMEM((CHUNK_CELLS,), jnp.float32),
        pltpu.SemaphoreType.DMA,
        pltpu.SemaphoreType.DMA,
        pltpu.SemaphoreType.DMA,
        pltpu.SemaphoreType.DMA,
    ],
)
def _sc_burst(cols_hbm, act_hbm, in_v, buf0, buf1, sem_in, sem_in2, sem0, sem1):
    wid = lax.axis_index("s") * 2 + lax.axis_index("c")
    col_base = wid * COLS_PER_W
    cell_base = wid * CELLS_PER_W

    in_dma0 = pltpu.async_copy(
        cols_hbm.at[pl.ds(col_base, CHUNK_COLS)],
        in_v.at[pl.ds(0, CHUNK_COLS)],
        sem_in,
    )
    in_dma1 = pltpu.async_copy(
        cols_hbm.at[pl.ds(col_base + CHUNK_COLS, COLS_PER_W - CHUNK_COLS)],
        in_v.at[pl.ds(CHUNK_COLS, COLS_PER_W - CHUNK_COLS)],
        sem_in2,
    )
    in_dma0.wait()

    ones16 = jnp.full((LANES,), 1.0, jnp.float32)
    zeros16 = jnp.zeros((LANES,), jnp.float32)
    lane_idx = [jnp.full((LANES, 1), l, jnp.int32) for l in range(LANES)]
    _gdn = lax.GatherDimensionNumbers(
        offset_dims=(), collapsed_slice_dims=(0,), start_index_map=(0,)
    )

    def _lane_bcast(vec, l):
        return lax.gather(
            vec,
            lane_idx[l],
            dimension_numbers=_gdn,
            slice_sizes=(1,),
            mode=lax.GatherScatterMode.PROMISE_IN_BOUNDS,
        )

    bufs = (buf0, buf1)
    sems = (sem0, sem1)
    dmas = [None, None]
    for k in range(NCHUNK):
        if k == 1:
            in_dma1.wait()
        b = k & 1
        if dmas[b] is not None:
            dmas[b].wait()
        buf = bufs[b]

        @plsc.parallel_loop(0, CHUNK_COLS // LANES, unroll=2)
        def _expand(i, _k=k, _buf=buf):
            v = in_v[pl.ds(_k * CHUNK_COLS + i * LANES, LANES)]
            m = jnp.where(v > 0.0, ones16, zeros16)
            base = i * (LANES * CELLS_PER_COLUMN)
            for l in range(LANES):
                mv = _lane_bcast(m, l)
                _buf[pl.ds(base + l * CELLS_PER_COLUMN, LANES)] = mv
                _buf[pl.ds(base + l * CELLS_PER_COLUMN + LANES, LANES)] = mv

        dmas[b] = pltpu.async_copy(
            buf,
            act_hbm.at[pl.ds(cell_base + k * CHUNK_CELLS, CHUNK_CELLS)],
            sems[b],
        )

    dmas[0].wait()
    dmas[1].wait()


_ZBLOCK = NUM_CELLS // 8


def _tc_zero_body(o_ref):
    o_ref[...] = jnp.zeros_like(o_ref)


_tc_zeros = pl.pallas_call(
    _tc_zero_body,
    out_shape=jax.ShapeDtypeStruct((NUM_CELLS,), jnp.float32),
    grid=(NUM_CELLS // _ZBLOCK,),
    out_specs=pl.BlockSpec((_ZBLOCK,), lambda i: (i,)),
    compiler_params=pltpu.CompilerParams(skip_device_barrier=True),
)


def kernel(active_columns):
    new_active = _sc_burst(active_columns)
    new_predictive = _tc_zeros()
    return (new_active, new_predictive)

# --- scband reference (transcript-rebuilt; emitter-appended) ---
"""Pipeline reference for scband-pytorch-temporal-memory-87213605912728 (READ-ONLY COPY).

The authoritative reference and input builder live on the scoring server;
editing this copy changes nothing except your own understanding.
"""

import jax, jax.numpy as jnp
import numpy as np

COLUMN_COUNT = 65536
CELLS_PER_COLUMN = 32
NUM_CELLS = COLUMN_COUNT * CELLS_PER_COLUMN


def setup_inputs(seed: int = 0) -> dict:
    key = jax.random.key(seed)
    active_columns = jax.random.normal(key, (COLUMN_COUNT,), dtype=jnp.float32)
    return {"active_columns": active_columns}


def reference(active_columns):
    # Faithful translation of PytorchTemporalMemory.compute_activity at the
    # module's initial (freshly-constructed) state:
    #   - self.segments is an empty dict
    #   - self.predictive_cells buffer is all zeros
    # Therefore every active column has col_predictions.sum() == 0 and BURSTS:
    #   all cells_per_column cells in that column become active, and the winner
    #   is the first cell (start_cell), since every _get_best_matching_segment
    #   returns (None, 0) and best_match_score starts at -1 (first cell wins tie).
    # With no segments, no cell can reach activation_threshold, so the new
    # predictive state is all zeros.
    mask = (active_columns > 0).astype(jnp.float32)

    # Bursting: broadcast column activity to all cells in the column.
    new_active = jnp.repeat(mask, CELLS_PER_COLUMN)

    # Winner cells (internal state self.winner_cells): scatter-overwrite of the
    # start cell of every bursting column. Computed for faithfulness to the
    # side effect even though compute_activity does not return it.
    start_cells = jnp.arange(COLUMN_COUNT) * CELLS_PER_COLUMN
    new_winner = jnp.zeros(NUM_CELLS, dtype=jnp.float32).at[start_cells].set(mask)
    del new_winner  # internal state only; not part of the returned tuple

    # No segments -> no predictions.
    new_predictive = jnp.zeros(NUM_CELLS, dtype=jnp.float32)

    return (new_active, new_predictive)

if __name__ == "__main__":
    import jax
    _d = setup_inputs()
    print(jax.jit(kernel)(*tuple(_d.values())))

</pallas_src>

<mosaic_0001>
#map = affine_map<(d0, d1) -> (0)>
module attributes {stable_mosaic.version = 14 : i64} {
  func.func @_sc_burst(%arg0: i32, %arg1: i32, %arg2: memref<65536xf32, #tpu.memory_space<hbm>>, %arg3: memref<2097152xf32, #tpu.memory_space<hbm>>, %arg4: memref<2048xf32, #tpu.memory_space<vmem>>, %arg5: memref<16384xf32, #tpu.memory_space<vmem>>, %arg6: memref<16384xf32, #tpu.memory_space<vmem>>, %arg7: memref<!tpu.dma_semaphore, #tpu.memory_space<semaphore_mem>>, %arg8: memref<!tpu.dma_semaphore, #tpu.memory_space<semaphore_mem>>, %arg9: memref<!tpu.dma_semaphore, #tpu.memory_space<semaphore_mem>>, %arg10: memref<!tpu.dma_semaphore, #tpu.memory_space<semaphore_mem>>) attributes {dimension_semantics = [#tpu.dimension_semantics<core_parallel>, #tpu.dimension_semantics<subcore_parallel>], iteration_bounds = array<i64: 2, 16>, scalar_prefetch = 0 : i64, scratch_operands = 7 : i64, tpu.core_type = #tpu.core_type<sc_vector_subcore>, window_params = [{transform_indices = #map}, {transform_indices = #map}]} {
    %mul3A = arith.constant 2 : i32
    %mul3A_0 = arith.muli %arg1, %mul3A : i32
    %add3A = arith.addi %mul3A_0, %arg0 : i32
    %mul3A_1 = arith.constant 2048 : i32
    %mul3A_2 = arith.muli %add3A, %mul3A_1 : i32
    %mul3A_3 = arith.constant 65536 : i32
    %mul3A_4 = arith.muli %add3A, %mul3A_3 : i32
    %dma_start3A = arith.constant 0 : i32
    %dma_start3A_5 = tpu.memref_slice %arg4[%dma_start3A] : memref<2048xf32, #tpu.memory_space<vmem>> -> memref<512xf32, #tpu.memory_space<vmem>>
    %dma_start3A_6 = tpu.memref_slice %arg2[%mul3A_2] : memref<65536xf32, #tpu.memory_space<hbm>> -> memref<512xf32, #tpu.memory_space<hbm>>
    %dma_start3A_7 = arith.constant 0 : i32
    %dma_start3A_8 = tpu.memref_slice %arg4[%dma_start3A_7] : memref<2048xf32, #tpu.memory_space<vmem>> -> memref<512xf32, #tpu.memory_space<vmem>>
    %dma_start3A_9 = tpu.memref_slice %arg2[%mul3A_2] : memref<65536xf32, #tpu.memory_space<hbm>> -> memref<512xf32, #tpu.memory_space<hbm>>
    tpu.enqueue_dma source(%dma_start3A_9 : memref<512xf32, #tpu.memory_space<hbm>>) target(%dma_start3A_8 : memref<512xf32, #tpu.memory_space<vmem>>) target_semaphore(%arg7 : memref<!tpu.dma_semaphore, #tpu.memory_space<semaphore_mem>>)
    %add3A_10 = arith.constant 512 : i32
    %add3A_11 = arith.addi %mul3A_2, %add3A_10 : i32
    %dma_start3A_12 = arith.constant 512 : i32
    %dma_start3A_13 = tpu.memref_slice %arg4[%dma_start3A_12] : memref<2048xf32, #tpu.memory_space<vmem>> -> memref<1536xf32, #tpu.memory_space<vmem>>
    %dma_start3A_14 = tpu.memref_slice %arg2[%add3A_11] : memref<65536xf32, #tpu.memory_space<hbm>> -> memref<1536xf32, #tpu.memory_space<hbm>>
    %dma_start3A_15 = arith.constant 512 : i32
    %dma_start3A_16 = tpu.memref_slice %arg4[%dma_start3A_15] : memref<2048xf32, #tpu.memory_space<vmem>> -> memref<1536xf32, #tpu.memory_space<vmem>>
    %dma_start3A_17 = tpu.memref_slice %arg2[%add3A_11] : memref<65536xf32, #tpu.memory_space<hbm>> -> memref<1536xf32, #tpu.memory_space<hbm>>
    tpu.enqueue_dma source(%dma_start3A_17 : memref<1536xf32, #tpu.memory_space<hbm>>) target(%dma_start3A_16 : memref<1536xf32, #tpu.memory_space<vmem>>) target_semaphore(%arg8 : memref<!tpu.dma_semaphore, #tpu.memory_space<semaphore_mem>>)
    %dma_wait3A = arith.constant 0 : i32
    %dma_wait3A_18 = tpu.memref_slice %arg4[%dma_wait3A] : memref<2048xf32, #tpu.memory_space<vmem>> -> memref<512xf32, #tpu.memory_space<vmem>>
    %dma_wait3A_19 = tpu.memref_slice %arg2[%mul3A_2] : memref<65536xf32, #tpu.memory_space<hbm>> -> memref<512xf32, #tpu.memory_space<hbm>>
    %dma_wait3A_20 = arith.constant 0 : i32
    %dma_wait3A_21 = tpu.memref_slice %arg4[%dma_wait3A_20] : memref<2048xf32, #tpu.memory_space<vmem>> -> memref<512xf32, #tpu.memory_space<vmem>>
    %dma_wait3A_22 = tpu.memref_slice %arg2[%mul3A_2] : memref<65536xf32, #tpu.memory_space<hbm>> -> memref<512xf32, #tpu.memory_space<hbm>>
    tpu.wait_dma2 semaphore(%arg7 : memref<!tpu.dma_semaphore, #tpu.memory_space<semaphore_mem>>) src(%dma_wait3A_22 : memref<512xf32, #tpu.memory_space<hbm>>) dst(%dma_wait3A_21 : memref<512xf32, #tpu.memory_space<vmem>>)
    %broadcast_in_dim3A = arith.constant 1.000000e+00 : f32
    %broadcast_in_dim3A_23 = vector.broadcast %broadcast_in_dim3A : f32 to vector<16xf32>
    %broadcast_in_dim3A_24 = arith.constant 0.000000e+00 : f32
    %broadcast_in_dim3A_25 = vector.broadcast %broadcast_in_dim3A_24 : f32 to vector<16xf32>
    %broadcast_in_dim3A_26 = arith.constant 0 : i32
    %broadcast_in_dim3A_27 = vector.broadcast %broadcast_in_dim3A_26 : i32 to vector<16x1xi32>
    %broadcast_in_dim3A_28 = arith.constant 1 : i32
    %broadcast_in_dim3A_29 = vector.broadcast %broadcast_in_dim3A_28 : i32 to vector<16x1xi32>
    %broadcast_in_dim3A_30 = arith.constant 2 : i32
    %broadcast_in_dim3A_31 = vector.broadcast %broadcast_in_dim3A_30 : i32 to vector<16x1xi32>
    %broadcast_in_dim3A_32 = arith.constant 3 : i32
    %broadcast_in_dim3A_33 = vector.broadcast %broadcast_in_dim3A_32 : i32 to vector<16x1xi32>
    %broadcast_in_dim3A_34 = arith.constant 4 : i32
    %broadcast_in_dim3A_35 = vector.broadcast %broadcast_in_dim3A_34 : i32 to vector<16x1xi32>
    %broadcast_in_dim3A_36 = arith.constant 5 : i32
    %broadcast_in_dim3A_37 = vector.broadcast %broadcast_in_dim3A_36 : i32 to vector<16x1xi32>
    %broadcast_in_dim3A_38 = arith.constant 6 : i32
    %broadcast_in_dim3A_39 = vector.broadcast %broadcast_in_dim3A_38 : i32 to vector<16x1xi32>
    %broadcast_in_dim3A_40 = arith.constant 7 : i32
    %broadcast_in_dim3A_41 = vector.broadcast %broadcast_in_dim3A_40 : i32 to vector<16x1xi32>
    %broadcast_in_dim3A_42 = arith.constant 8 : i32
    %broadcast_in_dim3A_43 = vector.broadcast %broadcast_in_dim3A_42 : i32 to vector<16x1xi32>
    %broadcast_in_dim3A_44 = arith.constant 9 : i32
    %broadcast_in_dim3A_45 = vector.broadcast %broadcast_in_dim3A_44 : i32 to vector<16x1xi32>
    %broadcast_in_dim3A_46 = arith.constant 10 : i32
    %broadcast_in_dim3A_47 = vector.broadcast %broadcast_in_dim3A_46 : i32 to vector<16x1xi32>
    %broadcast_in_dim3A_48 = arith.constant 11 : i32
    %broadcast_in_dim3A_49 = vector.broadcast %broadcast_in_dim3A_48 : i32 to vector<16x1xi32>
    %broadcast_in_dim3A_50 = arith.constant 12 : i32
    %broadcast_in_dim3A_51 = vector.broadcast %broadcast_in_dim3A_50 : i32 to vector<16x1xi32>
    %broadcast_in_dim3A_52 = arith.constant 13 : i32
    %broadcast_in_dim3A_53 = vector.broadcast %broadcast_in_dim3A_52 : i32 to vector<16x1xi32>
    %broadcast_in_dim3A_54 = arith.constant 14 : i32
    %broadcast_in_dim3A_55 = vector.broadcast %broadcast_in_dim3A_54 : i32 to vector<16x1xi32>
    %broadcast_in_dim3A_56 = arith.constant 15 : i32
    %broadcast_in_dim3A_57 = vector.broadcast %broadcast_in_dim3A_56 : i32 to vector<16x1xi32>
    %parallel_loop3A = arith.constant 0 : i32
    %parallel_loop3A_58 = arith.constant 32 : i32
    %parallel_loop3A_59 = arith.constant 1 : i32
    scf.for %parallel_loop3A_99 = %parallel_loop3A to %parallel_loop3A_58 step %parallel_loop3A_59  : i32 {
      %parallel_loop3A_100 = arith.constant 16 : i32
      %parallel_loop3A_101 = arith.muli %parallel_loop3A_99, %parallel_loop3A_100 : i32
      %parallel_loop3A_102 = arith.constant 0 : i32
      %parallel_loop3A_103 = arith.addi %parallel_loop3A_102, %parallel_loop3A_101 : i32
      %parallel_loop3A_104 = arith.index_cast %parallel_loop3A_103 : i32 to index
      %parallel_loop3A_105 = tpu.vector_load %arg4[%parallel_loop3A_104] {strides = array<i32>} : memref<2048xf32, #tpu.memory_space<vmem>>, vector<16xf32>,
      %parallel_loop3A_106 = arith.constant 0.000000e+00 : f32
      %parallel_loop3A_107 = vector.broadcast %parallel_loop3A_106 : f32 to vector<16xf32>
      %parallel_loop3A_108 = arith.cmpf ogt, %parallel_loop3A_105, %parallel_loop3A_107 : vector<16xf32>
      %parallel_loop3A_109 = arith.select %parallel_loop3A_108, %broadcast_in_dim3A_23, %broadcast_in_dim3A_25 : vector<16xi1>, vector<16xf32>
      %parallel_loop3A_110 = arith.constant 512 : i32
      %parallel_loop3A_111 = arith.muli %parallel_loop3A_99, %parallel_loop3A_110 : i32
      %parallel_loop3A_112 = vector.shape_cast %broadcast_in_dim3A_27 : vector<16x1xi32> to vector<16xi32>
      %parallel_loop3A_113 = tpu.dynamic_gather %parallel_loop3A_109[%parallel_loop3A_112] in [0] : vector<16xf32>, vector<16xi32> -> vector<16xf32>
      %parallel_loop3A_114 = arith.constant 0 : i32
      %parallel_loop3A_115 = arith.addi %parallel_loop3A_111, %parallel_loop3A_114 : i32
      %parallel_loop3A_116 = arith.index_cast %parallel_loop3A_115 : i32 to index
      %parallel_loop3A_117 = tpu.vector_load %arg5[%parallel_loop3A_116] {strides = array<i32>} : memref<16384xf32, #tpu.memory_space<vmem>>, vector<16xf32>,
      tpu.vector_store %arg5[%parallel_loop3A_116], %parallel_loop3A_113 {strides = array<i32>} : memref<16384xf32, #tpu.memory_space<vmem>>, vector<16xf32>,
      %parallel_loop3A_118 = arith.constant 0 : i32
      %parallel_loop3A_119 = arith.addi %parallel_loop3A_111, %parallel_loop3A_118 : i32
      %parallel_loop3A_120 = arith.constant 16 : i32
      %parallel_loop3A_121 = arith.addi %parallel_loop3A_119, %parallel_loop3A_120 : i32
      %parallel_loop3A_122 = arith.index_cast %parallel_loop3A_121 : i32 to index
      %parallel_loop3A_123 = tpu.vector_load %arg5[%parallel_loop3A_122] {strides = array<i32>} : memref<16384xf32, #tpu.memory_space<vmem>>, vector<16xf32>,
      tpu.vector_store %arg5[%parallel_loop3A_122], %parallel_loop3A_113 {strides = array<i32>} : memref<16384xf32, #tpu.memory_space<vmem>>, vector<16xf32>,
      %parallel_loop3A_124 = vector.shape_cast %broadcast_in_dim3A_29 : vector<16x1xi32> to vector<16xi32>
      %parallel_loop3A_125 = tpu.dynamic_gather %parallel_loop3A_109[%parallel_loop3A_124] in [0] : vector<16xf32>, vector<16xi32> -> vector<16xf32>
      %parallel_loop3A_126 = arith.constant 32 : i32
      %parallel_loop3A_127 = arith.addi %parallel_loop3A_111, %parallel_loop3A_126 : i32
      %parallel_loop3A_128 = arith.index_cast %parallel_loop3A_127 : i32 to index
      %parallel_loop3A_129 = tpu.vector_load %arg5[%parallel_loop3A_128] {strides = array<i32>} : memref<16384xf32, #tpu.memory_space<vmem>>, vector<16xf32>,
      tpu.vector_store %arg5[%parallel_loop3A_128], %parallel_loop3A_125 {strides = array<i32>} : memref<16384xf32, #tpu.memory_space<vmem>>, vector<16xf32>,
      %parallel_loop3A_130 = arith.constant 32 : i32
      %parallel_loop3A_131 = arith.addi %parallel_loop3A_111, %parallel_loop3A_130 : i32
      %parallel_loop3A_132 = arith.constant 16 : i32
      %parallel_loop3A_133 = arith.addi %parallel_loop3A_131, %parallel_loop3A_132 : i32
      %parallel_loop3A_134 = arith.index_cast %parallel_loop3A_133 : i32 to index
      %parallel_loop3A_135 = tpu.vector_load %arg5[%parallel_loop3A_134] {strides = array<i32>} : memref<16384xf32, #tpu.memory_space<vmem>>, vector<16xf32>,
      tpu.vector_store %arg5[%parallel_loop3A_134], %parallel_loop3A_125 {strides = array<i32>} : memref<16384xf32, #tpu.memory_space<vmem>>, vector<16xf32>,
      %parallel_loop3A_136 = vector.shape_cast %broadcast_in_dim3A_31 : vector<16x1xi32> to vector<16xi32>
      %parallel_loop3A_137 = tpu.dynamic_gather %parallel_loop3A_109[%parallel_loop3A_136] in [0] : vector<16xf32>, vector<16xi32> -> vector<16xf32>
      %parallel_loop3A_138 = arith.constant 64 : i32
      %parallel_loop3A_139 = arith.addi %parallel_loop3A_111, %parallel_loop3A_138 : i32
      %parallel_loop3A_140 = arith.index_cast %parallel_loop3A_139 : i32 to index
      %parallel_loop3A_141 = tpu.vector_load %arg5[%parallel_loop3A_140] {strides = array<i32>} : memref<16384xf32, #tpu.memory_space<vmem>>, vector<16xf32>,
      tpu.vector_store %arg5[%parallel_loop3A_140], %parallel_loop3A_137 {strides = array<i32>} : memref<16384xf32, #tpu.memory_space<vmem>>, vector<16xf32>,
      %parallel_loop3A_142 = arith.constant 64 : i32
      %parallel_loop3A_143 = arith.addi %parallel_loop3A_111, %parallel_loop3A_142 : i32
      %parallel_loop3A_144 = arith.constant 16 : i32
      %parallel_loop3A_145 = arith.addi %parallel_loop3A_143, %parallel_loop3A_144 : i32
      %parallel_loop3A_146 = arith.index_cast %parallel_loop3A_145 : i32 to index
      %parallel_loop3A_147 = tpu.vector_load %arg5[%parallel_loop3A_146] {strides = array<i32>} : memref<16384xf32, #tpu.memory_space<vmem>>, vector<16xf32>,
      tpu.vector_store %arg5[%parallel_loop3A_146], %parallel_loop3A_137 {strides = array<i32>} : memref<16384xf32, #tpu.memory_space<vmem>>, vector<16xf32>,
      %parallel_loop3A_148 = vector.shape_cast %broadcast_in_dim3A_33 : vector<16x1xi32> to vector<16xi32>
      %parallel_loop3A_149 = tpu.dynamic_gather %parallel_loop3A_109[%parallel_loop3A_148] in [0] : vector<16xf32>, vector<16xi32> -> vector<16xf32>
      %parallel_loop3A_150 = arith.constant 96 : i32
      %parallel_loop3A_151 = arith.addi %parallel_loop3A_111, %parallel_loop3A_150 : i32
      %parallel_loop3A_152 = arith.index_cast %parallel_loop3A_151 : i32 to index
      %parallel_loop3A_153 = tpu.vector_load %arg5[%parallel_loop3A_152] {strides = array<i32>} : memref<16384xf32, #tpu.memory_space<vmem>>, vector<16xf32>,
      tpu.vector_store %arg5[%parallel_loop3A_152], %parallel_loop3A_149 {strides = array<i32>} : memref<16384xf32, #tpu.memory_space<vmem>>, vector<16xf32>,
      %parallel_loop3A_154 = arith.constant 96 : i32
      %parallel_loop3A_155 = arith.addi %parallel_loop3A_111, %parallel_loop3A_154 : i32
      %parallel_loop3A_156 = arith.constant 16 : i32
      %parallel_loop3A_157 = arith.addi %parallel_loop3A_155, %parallel_loop3A_156 : i32
      %parallel_loop3A_158 = arith.index_cast %parallel_loop3A_157 : i32 to index
      %parallel_loop3A_159 = tpu.vector_load %arg5[%parallel_loop3A_158] {strides = array<i32>} : memref<16384xf32, #tpu.memory_space<vmem>>, vector<16xf32>,
      tpu.vector_store %arg5[%parallel_loop3A_158], %parallel_loop3A_149 {strides = array<i32>} : memref<16384xf32, #tpu.memory_space<vmem>>, vector<16xf32>,
      %parallel_loop3A_160 = vector.shape_cast %broadcast_in_dim3A_35 : vector<16x1xi32> to vector<16xi32>
      %parallel_loop3A_161 = tpu.dynamic_gather %parallel_loop3A_109[%parallel_loop3A_160] in [0] : vector<16xf32>, vector<16xi32> -> vector<16xf32>
      %parallel_loop3A_162 = arith.constant 128 : i32
      %parallel_loop3A_163 = arith.addi %parallel_loop3A_111, %parallel_loop3A_162 : i32
      %parallel_loop3A_164 = arith.index_cast %parallel_loop3A_163 : i32 to index
      %parallel_loop3A_165 = tpu.vector_load %arg5[%parallel_loop3A_164] {strides = array<i32>} : memref<16384xf32, #tpu.memory_space<vmem>>, vector<16xf32>,
      tpu.vector_store %arg5[%parallel_loop3A_164], %parallel_loop3A_161 {strides = array<i32>} : memref<16384xf32, #tpu.memory_space<vmem>>, vector<16xf32>,
      %parallel_loop3A_166 = arith.constant 128 : i32
      %parallel_loop3A_167 = arith.addi %parallel_loop3A_111, %parallel_loop3A_166 : i32
      %parallel_loop3A_168 = arith.constant 16 : i32
      %parallel_loop3A_169 = arith.addi %parallel_loop3A_167, %parallel_loop3A_168 : i32
      %parallel_loop3A_170 = arith.index_cast %parallel_loop3A_169 : i32 to index
      %parallel_loop3A_171 = tpu.vector_load %arg5[%parallel_loop3A_170] {strides = array<i32>} : memref<16384xf32, #tpu.memory_space<vmem>>, vector<16xf32>,
      tpu.vector_store %arg5[%parallel_loop3A_170], %parallel_loop3A_161 {strides = array<i32>} : memref<16384xf32, #tpu.memory_space<vmem>>, vector<16xf32>,
      %parallel_loop3A_172 = vector.shape_cast %broadcast_in_dim3A_37 : vector<16x1xi32> to vector<16xi32>
      %parallel_loop3A_173 = tpu.dynamic_gather %parallel_loop3A_109[%parallel_loop3A_172] in [0] : vector<16xf32>, vector<16xi32> -> vector<16xf32>
      %parallel_loop3A_174 = arith.constant 160 : i32
      %parallel_loop3A_175 = arith.addi %parallel_loop3A_111, %parallel_loop3A_174 : i32
      %parallel_loop3A_176 = arith.index_cast %parallel_loop3A_175 : i32 to index
      %parallel_loop3A_177 = tpu.vector_load %arg5[%parallel_loop3A_176] {strides = array<i32>} : memref<16384xf32, #tpu.memory_space<vmem>>, vector<16xf32>,
      tpu.vector_store %arg5[%parallel_loop3A_176], %parallel_loop3A_173 {strides = array<i32>} : memref<16384xf32, #tpu.memory_space<vmem>>, vector<16xf32>,
      %parallel_loop3A_178 = arith.constant 160 : i32
      %parallel_loop3A_179 = arith.addi %parallel_loop3A_111, %parallel_loop3A_178 : i32
      %parallel_loop3A_180 = arith.constant 16 : i32
      %parallel_loop3A_181 = arith.addi %parallel_loop3A_179, %parallel_loop3A_180 : i32
      %parallel_loop3A_182 = arith.index_cast %parallel_loop3A_181 : i32 to index
      %parallel_loop3A_183 = tpu.vector_load %arg5[%parallel_loop3A_182] {strides = array<i32>} : memref<16384xf32, #tpu.memory_space<vmem>>, vector<16xf32>,
      tpu.vector_store %arg5[%parallel_loop3A_182], %parallel_loop3A_173 {strides = array<i32>} : memref<16384xf32, #tpu.memory_space<vmem>>, vector<16xf32>,
      %parallel_loop3A_184 = vector.shape_cast %broadcast_in_dim3A_39 : vector<16x1xi32> to vector<16xi32>
      %parallel_loop3A_185 = tpu.dynamic_gather %parallel_loop3A_109[%parallel_loop3A_184] in [0] : vector<16xf32>, vector<16xi32> -> vector<16xf32>
      %parallel_loop3A_186 = arith.constant 192 : i32
      %parallel_loop3A_187 = arith.addi %parallel_loop3A_111, %parallel_loop3A_186 : i32
      %parallel_loop3A_188 = arith.index_cast %parallel_loop3A_187 : i32 to index
      %parallel_loop3A_189 = tpu.vector_load %arg5[%parallel_loop3A_188] {strides = array<i32>} : memref<16384xf32, #tpu.memory_space<vmem>>, vector<16xf32>,
      tpu.vector_store %arg5[%parallel_loop3A_188], %parallel_loop3A_185 {strides = array<i32>} : memref<16384xf32, #tpu.memory_space<vmem>>, vector<16xf32>,
      %parallel_loop3A_190 = arith.constant 192 : i32
      %parallel_loop3A_191 = arith.addi %parallel_loop3A_111, %parallel_loop3A_190 : i32
      %parallel_loop3A_192 = arith.constant 16 : i32
      %parallel_loop3A_193 = arith.addi %parallel_loop3A_191, %parallel_loop3A_192 : i32
      %parallel_loop3A_194 = arith.index_cast %parallel_loop3A_193 : i32 to index
      %parallel_loop3A_195 = tpu.vector_load %arg5[%parallel_loop3A_194] {strides = array<i32>} : memref<16384xf32, #tpu.memory_space<vmem>>, vector<16xf32>,
      tpu.vector_store %arg5[%parallel_loop3A_194], %parallel_loop3A_185 {strides = array<i32>} : memref<16384xf32, #tpu.memory_space<vmem>>, vector<16xf32>,
      %parallel_loop3A_196 = vector.shape_cast %broadcast_in_dim3A_41 : vector<16x1xi32> to vector<16xi32>
      %parallel_loop3A_197 = tpu.dynamic_gather %parallel_loop3A_109[%parallel_loop3A_196] in [0] : vector<16xf32>, vector<16xi32> -> vector<16xf32>
      %parallel_loop3A_198 = arith.constant 224 : i32
      %parallel_loop3A_199 = arith.addi %parallel_loop3A_111, %parallel_loop3A_198 : i32
      %parallel_loop3A_200 = arith.index_cast %parallel_loop3A_199 : i32 to index
      %parallel_loop3A_201 = tpu.vector_load %arg5[%parallel_loop3A_200] {strides = array<i32>} : memref<16384xf32, #tpu.memory_space<vmem>>, vector<16xf32>,
      tpu.vector_store %arg5[%parallel_loop3A_200], %parallel_loop3A_197 {strides = array<i32>} : memref<16384xf32, #tpu.memory_space<vmem>>, vector<16xf32>,
      %parallel_loop3A_202 = arith.constant 224 : i32
      %parallel_loop3A_203 = arith.addi %parallel_loop3A_111, %parallel_loop3A_202 : i32
      %parallel_loop3A_204 = arith.constant 16 : i32
      %parallel_loop3A_205 = arith.addi %parallel_loop3A_203, %parallel_loop3A_204 : i32
      %parallel_loop3A_206 = arith.index_cast %parallel_loop3A_205 : i32 to index
      %parallel_loop3A_207 = tpu.vector_load %arg5[%parallel_loop3A_206] {strides = array<i32>} : memref<16384xf32, #tpu.memory_space<vmem>>, vector<16xf32>,
      tpu.vector_store %arg5[%parallel_loop3A_206], %parallel_loop3A_197 {strides = array<i32>} : memref<16384xf32, #tpu.memory_space<vmem>>, vector<16xf32>,
      %parallel_loop3A_208 = vector.shape_cast %broadcast_in_dim3A_43 : vector<16x1xi32> to vector<16xi32>
      %parallel_loop3A_209 = tpu.dynamic_gather %parallel_loop3A_109[%parallel_loop3A_208] in [0] : vector<16xf32>, vector<16xi32> -> vector<16xf32>
      %parallel_loop3A_210 = arith.constant 256 : i32
      %parallel_loop3A_211 = arith.addi %parallel_loop3A_111, %parallel_loop3A_210 : i32
      %parallel_loop3A_212 = arith.index_cast %parallel_loop3A_211 : i32 to index
      %parallel_loop3A_213 = tpu.vector_load %arg5[%parallel_loop3A_212] {strides = array<i32>} : memref<16384xf32, #tpu.memory_space<vmem>>, vector<16xf32>,
      tpu.vector_store %arg5[%parallel_loop3A_212], %parallel_loop3A_209 {strides = array<i32>} : memref<16384xf32, #tpu.memory_space<vmem>>, vector<16xf32>,
      %parallel_loop3A_214 = arith.constant 256 : i32
      %parallel_loop3A_215 = arith.addi %parallel_loop3A_111, %parallel_loop3A_214 : i32
      %parallel_loop3A_216 = arith.constant 16 : i32
      %parallel_loop3A_217 = arith.addi %parallel_loop3A_215, %parallel_loop3A_216 : i32
      %parallel_loop3A_218 = arith.index_cast %parallel_loop3A_217 : i32 to index
      %parallel_loop3A_219 = tpu.vector_load %arg5[%parallel_loop3A_218] {strides = array<i32>} : memref<16384xf32, #tpu.memory_space<vmem>>, vector<16xf32>,
      tpu.vector_store %arg5[%parallel_loop3A_218], %parallel_loop3A_209 {strides = array<i32>} : memref<16384xf32, #tpu.memory_space<vmem>>, vector<16xf32>,
      %parallel_loop3A_220 = vector.shape_cast %broadcast_in_dim3A_45 : vector<16x1xi32> to vector<16xi32>
      %parallel_loop3A_221 = tpu.dynamic_gather %parallel_loop3A_109[%parallel_loop3A_220] in [0] : vector<16xf32>, vector<16xi32> -> vector<16xf32>
      %parallel_loop3A_222 = arith.constant 288 : i32
      %parallel_loop3A_223 = arith.addi %parallel_loop3A_111, %parallel_loop3A_222 : i32
      %parallel_loop3A_224 = arith.index_cast %parallel_loop3A_223 : i32 to index
      %parallel_loop3A_225 = tpu.vector_load %arg5[%parallel_loop3A_224] {strides = array<i32>} : memref<16384xf32, #tpu.memory_space<vmem>>, vector<16xf32>,
      tpu.vector_store %arg5[%parallel_loop3A_224], %parallel_loop3A_221 {strides = array<i32>} : memref<16384xf32, #tpu.memory_space<vmem>>, vector<16xf32>,
      %parallel_loop3A_226 = arith.constant 288 : i32
      %parallel_loop3A_227 = arith.addi %parallel_loop3A_111, %parallel_loop3A_226 : i32
      %parallel_loop3A_228 = arith.constant 16 : i32
      %parallel_loop3A_229 = arith.addi %parallel_loop3A_227, %parallel_loop3A_228 : i32
      %parallel_loop3A_230 = arith.index_cast %parallel_loop3A_229 : i32 to index
      %parallel_loop3A_231 = tpu.vector_load %arg5[%parallel_loop3A_230] {strides = array<i32>} : memref<16384xf32, #tpu.memory_space<vmem>>, vector<16xf32>,
      tpu.vector_store %arg5[%parallel_loop3A_230], %parallel_loop3A_221 {strides = array<i32>} : memref<16384xf32, #tpu.memory_space<vmem>>, vector<16xf32>,
      %parallel_loop3A_232 = vector.shape_cast %broadcast_in_dim3A_47 : vector<16x1xi32> to vector<16xi32>
      %parallel_loop3A_233 = tpu.dynamic_gather %parallel_loop3A_109[%parallel_loop3A_232] in [0] : vector<16xf32>, vector<16xi32> -> vector<16xf32>
      %parallel_loop3A_234 = arith.constant 320 : i32
      %parallel_loop3A_235 = arith.addi %parallel_loop3A_111, %parallel_loop3A_234 : i32
      %parallel_loop3A_236 = arith.index_cast %parallel_loop3A_235 : i32 to index
      %parallel_loop3A_237 = tpu.vector_load %arg5[%parallel_loop3A_236] {strides = array<i32>} : memref<16384xf32, #tpu.memory_space<vmem>>, vector<16xf32>,
      tpu.vector_store %arg5[%parallel_loop3A_236], %parallel_loop3A_233 {strides = array<i32>} : memref<16384xf32, #tpu.memory_space<vmem>>, vector<16xf32>,
      %parallel_loop3A_238 = arith.constant 320 : i32
      %parallel_loop3A_239 = arith.addi %parallel_loop3A_111, %parallel_loop3A_238 : i32
      %parallel_loop3A_240 = arith.constant 16 : i32
      %parallel_loop3A_241 = arith.addi %parallel_loop3A_239, %parallel_loop3A_240 : i32
      %parallel_loop3A_242 = arith.index_cast %parallel_loop3A_241 : i32 to index
      %parallel_loop3A_243 = tpu.vector_load %arg5[%parallel_loop3A_242] {strides = array<i32>} : memref<16384xf32, #tpu.memory_space<vmem>>, vector<16xf32>,
      tpu.vector_store %arg5[%parallel_loop3A_242], %parallel_loop3A_233 {strides = array<i32>} : memref<16384xf32, #tpu.memory_space<vmem>>, vector<16xf32>,
      %parallel_loop3A_244 = vector.shape_cast %broadcast_in_dim3A_49 : vector<16x1xi32> to vector<16xi32>
      %parallel_loop3A_245 = tpu.dynamic_gather %parallel_loop3A_109[%parallel_loop3A_244] in [0] : vector<16xf32>, vector<16xi32> -> vector<16xf32>
      %parallel_loop3A_246 = arith.constant 352 : i32
      %parallel_loop3A_247 = arith.addi %parallel_loop3A_111, %parallel_loop3A_246 : i32
      %parallel_loop3A_248 = arith.index_cast %parallel_loop3A_247 : i32 to index
      %parallel_loop3A_249 = tpu.vector_load %arg5[%parallel_loop3A_248] {strides = array<i32>} : memref<16384xf32, #tpu.memory_space<vmem>>, vector<16xf32>,
      tpu.vector_store %arg5[%parallel_loop3A_248], %parallel_loop3A_245 {strides = array<i32>} : memref<16384xf32, #tpu.memory_space<vmem>>, vector<16xf32>,
      %parallel_loop3A_250 = arith.constant 352 : i32
      %parallel_loop3A_251 = arith.addi %parallel_loop3A_111, %parallel_loop3A_250 : i32
      %parallel_loop3A_252 = arith.constant 16 : i32
      %parallel_loop3A_253 = arith.addi %parallel_loop3A_251, %parallel_loop3A_252 : i32
      %parallel_loop3A_254 = arith.index_cast %parallel_loop3A_253 : i32 to index
      %parallel_loop3A_255 = tpu.vector_load %arg5[%parallel_loop3A_254] {strides = array<i32>} : memref<16384xf32, #tpu.memory_space<vmem>>, vector<16xf32>,
      tpu.vector_store %arg5[%parallel_loop3A_254], %parallel_loop3A_245 {strides = array<i32>} : memref<16384xf32, #tpu.memory_space<vmem>>, vector<16xf32>,
      %parallel_loop3A_256 = vector.shape_cast %broadcast_in_dim3A_51 : vector<16x1xi32> to vector<16xi32>
      %parallel_loop3A_257 = tpu.dynamic_gather %parallel_loop3A_109[%parallel_loop3A_256] in [0] : vector<16xf32>, vector<16xi32> -> vector<16xf32>
      %parallel_loop3A_258 = arith.constant 384 : i32
      %parallel_loop3A_259 = arith.addi %parallel_loop3A_111, %parallel_loop3A_258 : i32
      %parallel_loop3A_260 = arith.index_cast %parallel_loop3A_259 : i32 to index
      %parallel_loop3A_261 = tpu.vector_load %arg5[%parallel_loop3A_260] {strides = array<i32>} : memref<16384xf32, #tpu.memory_space<vmem>>, vector<16xf32>,
      tpu.vector_store %arg5[%parallel_loop3A_260], %parallel_loop3A_257 {strides = array<i32>} : memref<16384xf32, #tpu.memory_space<vmem>>, vector<16xf32>,
      %parallel_loop3A_262 = arith.constant 384 : i32
      %parallel_loop3A_263 = arith.addi %parallel_loop3A_111, %parallel_loop3A_262 : i32
      %parallel_loop3A_264 = arith.constant 16 : i32
      %parallel_loop3A_265 = arith.addi %parallel_loop3A_263, %parallel_loop3A_264 : i32
      %parallel_loop3A_266 = arith.index_cast %parallel_loop3A_265 : i32 to index
      %parallel_loop3A_267 = tpu.vector_load %arg5[%parallel_loop3A_266] {strides = array<i32>} : memref<16384xf32, #tpu.memory_space<vmem>>, vector<16xf32>,
      tpu.vector_store %arg5[%parallel_loop3A_266], %parallel_loop3A_257 {strides = array<i32>} : memref<16384xf32, #tpu.memory_space<vmem>>, vector<16xf32>,
      %parallel_loop3A_268 = vector.shape_cast %broadcast_in_dim3A_53 : vector<16x1xi32> to vector<16xi32>
      %parallel_loop3A_269 = tpu.dynamic_gather %parallel_loop3A_109[%parallel_loop3A_268] in [0] : vector<16xf32>, vector<16xi32> -> vector<16xf32>
      %parallel_loop3A_270 = arith.constant 416 : i32
      %parallel_loop3A_271 = arith.addi %parallel_loop3A_111, %parallel_loop3A_270 : i32
      %parallel_loop3A_272 = arith.index_cast %parallel_loop3A_271 : i32 to index
      %parallel_loop3A_273 = tpu.vector_load %arg5[%parallel_loop3A_272] {strides = array<i32>} : memref<16384xf32, #tpu.memory_space<vmem>>, vector<16xf32>,
      tpu.vector_store %arg5[%parallel_loop3A_272], %parallel_loop3A_269 {strides = array<i32>} : memref<16384xf32, #tpu.memory_space<vmem>>, vector<16xf32>,
      %parallel_loop3A_274 = arith.constant 416 : i32
      %parallel_loop3A_275 = arith.addi %parallel_loop3A_111, %parallel_loop3A_274 : i32
      %parallel_loop3A_276 = arith.constant 16 : i32
      %parallel_loop3A_277 = arith.addi %parallel_loop3A_275, %parallel_loop3A_276 : i32
      %parallel_loop3A_278 = arith.index_cast %parallel_loop3A_277 : i32 to index
      %parallel_loop3A_279 = tpu.vector_load %arg5[%parallel_loop3A_278] {strides = array<i32>} : memref<16384xf32, #tpu.memory_space<vmem>>, vector<16xf32>,
      tpu.vector_store %arg5[%parallel_loop3A_278], %parallel_loop3A_269 {strides = array<i32>} : memref<16384xf32, #tpu.memory_space<vmem>>, vector<16xf32>,
      %parallel_loop3A_280 = vector.shape_cast %broadcast_in_dim3A_55 : vector<16x1xi32> to vector<16xi32>
      %parallel_loop3A_281 = tpu.dynamic_gather %parallel_loop3A_109[%parallel_loop3A_280] in [0] : vector<16xf32>, vector<16xi32> -> vector<16xf32>
      %parallel_loop3A_282 = arith.constant 448 : i32
      %parallel_loop3A_283 = arith.addi %parallel_loop3A_111, %parallel_loop3A_282 : i32
      %parallel_loop3A_284 = arith.index_cast %parallel_loop3A_283 : i32 to index
      %parallel_loop3A_285 = tpu.vector_load %arg5[%parallel_loop3A_284] {strides = array<i32>} : memref<16384xf32, #tpu.memory_space<vmem>>, vector<16xf32>,
      tpu.vector_store %arg5[%parallel_loop3A_284], %parallel_loop3A_281 {strides = array<i32>} : memref<16384xf32, #tpu.memory_space<vmem>>, vector<16xf32>,
      %parallel_loop3A_286 = arith.constant 448 : i32
      %parallel_loop3A_287 = arith.addi %parallel_loop3A_111, %parallel_loop3A_286 : i32
      %parallel_loop3A_288 = arith.constant 16 : i32
      %parallel_loop3A_289 = arith.addi %parallel_loop3A_287, %parallel_loop3A_288 : i32
      %parallel_loop3A_290 = arith.index_cast %parallel_loop3A_289 : i32 to index
      %parallel_loop3A_291 = tpu.vector_load %arg5[%parallel_loop3A_290] {strides = array<i32>} : memref<16384xf32, #tpu.memory_space<vmem>>, vector<16xf32>,
      tpu.vector_store %arg5[%parallel_loop3A_290], %parallel_loop3A_281 {strides = array<i32>} : memref<16384xf32, #tpu.memory_space<vmem>>, vector<16xf32>,
      %parallel_loop3A_292 = vector.shape_cast %broadcast_in_dim3A_57 : vector<16x1xi32> to vector<16xi32>
      %parallel_loop3A_293 = tpu.dynamic_gather %parallel_loop3A_109[%parallel_loop3A_292] in [0] : vector<16xf32>, vector<16xi32> -> vector<16xf32>
      %parallel_loop3A_294 = arith.constant 480 : i32
      %parallel_loop3A_295 = arith.addi %parallel_loop3A_111, %parallel_loop3A_294 : i32
      %parallel_loop3A_296 = arith.index_cast %parallel_loop3A_295 : i32 to index
      %parallel_loop3A_297 = tpu.vector_load %arg5[%parallel_loop3A_296] {strides = array<i32>} : memref<16384xf32, #tpu.memory_space<vmem>>, vector<16xf32>,
      tpu.vector_store %arg5[%parallel_loop3A_296], %parallel_loop3A_293 {strides = array<i32>} : memref<16384xf32, #tpu.memory_space<vmem>>, vector<16xf32>,
      %parallel_loop3A_298 = arith.constant 480 : i32
      %parallel_loop3A_299 = arith.addi %parallel_loop3A_111, %parallel_loop3A_298 : i32
      %parallel_loop3A_300 = arith.constant 16 : i32
      %parallel_loop3A_301 = arith.addi %parallel_loop3A_299, %parallel_loop3A_300 : i32
      %parallel_loop3A_302 = arith.index_cast %parallel_loop3A_301 : i32 to index
      %parallel_loop3A_303 = tpu.vector_load %arg5[%parallel_loop3A_302] {strides = array<i32>} : memref<16384xf32, #tpu.memory_space<vmem>>, vector<16xf32>,
      tpu.vector_store %arg5[%parallel_loop3A_302], %parallel_loop3A_293 {strides = array<i32>} : memref<16384xf32, #tpu.memory_space<vmem>>, vector<16xf32>,
    } {sc.loop_unroll_factor = 2 : i64, sc.parallel_access}
    %add3A_60 = arith.constant 0 : i32
    %add3A_61 = arith.addi %mul3A_4, %add3A_60 : i32
    %dma_start3A_62 = tpu.memref_slice %arg3[%add3A_61] : memref<2097152xf32, #tpu.memory_space<hbm>> -> memref<16384xf32, #tpu.memory_space<hbm>>
    %dma_start3A_63 = tpu.memref_slice %arg3[%add3A_61] : memref<2097152xf32, #tpu.memory_space<hbm>> -> memref<16384xf32, #tpu.memory_space<hbm>>
    tpu.enqueue_dma source(%arg5 : memref<16384xf32, #tpu.memory_space<vmem>>) target(%dma_start3A_63 : memref<16384xf32, #tpu.memory_space<hbm>>) target_semaphore(%arg9 : memref<!tpu.dma_semaphore, #tpu.memory_space<semaphore_mem>>)
    %dma_wait3A_64 = arith.constant 512 : i32
    %dma_wait3A_65 = tpu.memref_slice %arg4[%dma_wait3A_64] : memref<2048xf32, #tpu.memory_space<vmem>> -> memref<1536xf32, #tpu.memory_space<vmem>>
    %dma_wait3A_66 = tpu.memref_slice %arg2[%add3A_11] : memref<65536xf32, #tpu.memory_space<hbm>> -> memref<1536xf32, #tpu.memory_space<hbm>>
    %dma_wait3A_67 = arith.constant 512 : i32
    %dma_wait3A_68 = tpu.memref_slice %arg4[%dma_wait3A_67] : memref<2048xf32, #tpu.memory_space<vmem>> -> memref<1536xf32, #tpu.memory_space<vmem>>
    %dma_wait3A_69 = tpu.memref_slice %arg2[%add3A_11] : memref<65536xf32, #tpu.memory_space<hbm>> -> memref<1536xf32, #tpu.memory_space<hbm>>
    tpu.wait_dma2 semaphore(%arg8 : memref<!tpu.dma_semaphore, #tpu.memory_space<semaphore_mem>>) src(%dma_wait3A_69 : memref<1536xf32, #tpu.memory_space<hbm>>) dst(%dma_wait3A_68 : memref<1536xf32, #tpu.memory_space<vmem>>)
    %parallel_loop3A_70 = arith.constant 0 : i32
    %parallel_loop3A_71 = arith.constant 32 : i32
    %parallel_loop3A_72 = arith.constant 1 : i32
    scf.for %parallel_loop3A_99 = %parallel_loop3A_70 to %parallel_loop3A_71 step %parallel_loop3A_72  : i32 {
      %parallel_loop3A_100 = arith.constant 16 : i32
      %parallel_loop3A_101 = arith.muli %parallel_loop3A_99, %parallel_loop3A_100 : i32
      %parallel_loop3A_102 = arith.constant 512 : i32
      %parallel_loop3A_103 = arith.addi %parallel_loop3A_102, %parallel_loop3A_101 : i32
      %parallel_loop3A_104 = arith.index_cast %parallel_loop3A_103 : i32 to index
      %parallel_loop3A_105 = tpu.vector_load %arg4[%parallel_loop3A_104] {strides = array<i32>} : memref<2048xf32, #tpu.memory_space<vmem>>, vector<16xf32>,
      %parallel_loop3A_106 = arith.constant 0.000000e+00 : f32
      %parallel_loop3A_107 = vector.broadcast %parallel_loop3A_106 : f32 to vector<16xf32>
      %parallel_loop3A_108 = arith.cmpf ogt, %parallel_loop3A_105, %parallel_loop3A_107 : vector<16xf32>
      %parallel_loop3A_109 = arith.select %parallel_loop3A_108, %broadcast_in_dim3A_23, %broadcast_in_dim3A_25 : vector<16xi1>, vector<16xf32>
      %parallel_loop3A_110 = arith.constant 512 : i32
      %parallel_loop3A_111 = arith.muli %parallel_loop3A_99, %parallel_loop3A_110 : i32
      %parallel_loop3A_112 = vector.shape_cast %broadcast_in_dim3A_27 : vector<16x1xi32> to vector<16xi32>
      %parallel_loop3A_113 = tpu.dynamic_gather %parallel_loop3A_109[%parallel_loop3A_112] in [0] : vector<16xf32>, vector<16xi32> -> vector<16xf32>
      %parallel_loop3A_114 = arith.constant 0 : i32
      %parallel_loop3A_115 = arith.addi %parallel_loop3A_111, %parallel_loop3A_114 : i32
      %parallel_loop3A_116 = arith.index_cast %parallel_loop3A_115 : i32 to index
      %parallel_loop3A_117 = tpu.vector_load %arg6[%parallel_loop3A_116] {strides = array<i32>} : memref<16384xf32, #tpu.memory_space<vmem>>, vector<16xf32>,
      tpu.vector_store %arg6[%parallel_loop3A_116], %parallel_loop3A_113 {strides = array<i32>} : memref<16384xf32, #tpu.memory_space<vmem>>, vector<16xf32>,
      %parallel_loop3A_118 = arith.constant 0 : i32
      %parallel_loop3A_119 = arith.addi %parallel_loop3A_111, %parallel_loop3A_118 : i32
      %parallel_loop3A_120 = arith.constant 16 : i32
      %parallel_loop3A_121 = arith.addi %parallel_loop3A_119, %parallel_loop3A_120 : i32
      %parallel_loop3A_122 = arith.index_cast %parallel_loop3A_121 : i32 to index
      %parallel_loop3A_123 = tpu.vector_load %arg6[%parallel_loop3A_122] {strides = array<i32>} : memref<16384xf32, #tpu.memory_space<vmem>>, vector<16xf32>,
      tpu.vector_store %arg6[%parallel_loop3A_122], %parallel_loop3A_113 {strides = array<i32>} : memref<16384xf32, #tpu.memory_space<vmem>>, vector<16xf32>,
      %parallel_loop3A_124 = vector.shape_cast %broadcast_in_dim3A_29 : vector<16x1xi32> to vector<16xi32>
      %parallel_loop3A_125 = tpu.dynamic_gather %parallel_loop3A_109[%parallel_loop3A_124] in [0] : vector<16xf32>, vector<16xi32> -> vector<16xf32>
      %parallel_loop3A_126 = arith.constant 32 : i32
      %parallel_loop3A_127 = arith.addi %parallel_loop3A_111, %parallel_loop3A_126 : i32
      %parallel_loop3A_128 = arith.index_cast %parallel_loop3A_127 : i32 to index
      %parallel_loop3A_129 = tpu.vector_load %arg6[%parallel_loop3A_128] {strides = array<i32>} : memref<16384xf32, #tpu.memory_space<vmem>>, vector<16xf32>,
      tpu.vector_store %arg6[%parallel_loop3A_128], %parallel_loop3A_125 {strides = array<i32>} : memref<16384xf32, #tpu.memory_space<vmem>>, vector<16xf32>,
      %parallel_loop3A_130 = arith.constant 32 : i32
      %parallel_loop3A_131 = arith.addi %parallel_loop3A_111, %parallel_loop3A_130 : i32
      %parallel_loop3A_132 = arith.constant 16 : i32
      %parallel_loop3A_133 = arith.addi %parallel_loop3A_131, %parallel_loop3A_132 : i32
      %parallel_loop3A_134 = arith.index_cast %parallel_loop3A_133 : i32 to index
      %parallel_loop3A_135 = tpu.vector_load %arg6[%parallel_loop3A_134] {strides = array<i32>} : memref<16384xf32, #tpu.memory_space<vmem>>, vector<16xf32>,
      tpu.vector_store %arg6[%parallel_loop3A_134], %parallel_loop3A_125 {strides = array<i32>} : memref<16384xf32, #tpu.memory_space<vmem>>, vector<16xf32>,
      %parallel_loop3A_136 = vector.shape_cast %broadcast_in_dim3A_31 : vector<16x1xi32> to vector<16xi32>
      %parallel_loop3A_137 = tpu.dynamic_gather %parallel_loop3A_109[%parallel_loop3A_136] in [0] : vector<16xf32>, vector<16xi32> -> vector<16xf32>
      %parallel_loop3A_138 = arith.constant 64 : i32
      %parallel_loop3A_139 = arith.addi %parallel_loop3A_111, %parallel_loop3A_138 : i32
      %parallel_loop3A_140 = arith.index_cast %parallel_loop3A_139 : i32 to index
      %parallel_loop3A_141 = tpu.vector_load %arg6[%parallel_loop3A_140] {strides = array<i32>} : memref<16384xf32, #tpu.memory_space<vmem>>, vector<16xf32>,
      tpu.vector_store %arg6[%parallel_loop3A_140], %parallel_loop3A_137 {strides = array<i32>} : memref<16384xf32, #tpu.memory_space<vmem>>, vector<16xf32>,
      %parallel_loop3A_142 = arith.constant 64 : i32
      %parallel_loop3A_143 = arith.addi %parallel_loop3A_111, %parallel_loop3A_142 : i32
      %parallel_loop3A_144 = arith.constant 16 : i32
      %parallel_loop3A_145 = arith.addi %parallel_loop3A_143, %parallel_loop3A_144 : i32
      %parallel_loop3A_146 = arith.index_cast %parallel_loop3A_145 : i32 to index
      %parallel_loop3A_147 = tpu.vector_load %arg6[%parallel_loop3A_146] {strides = array<i32>} : memref<16384xf32, #tpu.memory_space<vmem>>, vector<16xf32>,
      tpu.vector_store %arg6[%parallel_loop3A_146], %parallel_loop3A_137 {strides = array<i32>} : memref<16384xf32, #tpu.memory_space<vmem>>, vector<16xf32>,
      %parallel_loop3A_148 = vector.shape_cast %broadcast_in_dim3A_33 : vector<16x1xi32> to vector<16xi32>
      %parallel_loop3A_149 = tpu.dynamic_gather %parallel_loop3A_109[%parallel_loop3A_148] in [0] : vector<16xf32>, vector<16xi32> -> vector<16xf32>
      %parallel_loop3A_150 = arith.constant 96 : i32
      %parallel_loop3A_151 = arith.addi %parallel_loop3A_111, %parallel_loop3A_150 : i32
      %parallel_loop3A_152 = arith.index_cast %parallel_loop3A_151 : i32 to index
      %parallel_loop3A_153 = tpu.vector_load %arg6[%parallel_loop3A_152] {strides = array<i32>} : memref<16384xf32, #tpu.memory_space<vmem>>, vector<16xf32>,
      tpu.vector_store %arg6[%parallel_loop3A_152], %parallel_loop3A_149 {strides = array<i32>} : memref<16384xf32, #tpu.memory_space<vmem>>, vector<16xf32>,
      %parallel_loop3A_154 = arith.constant 96 : i32
      %parallel_loop3A_155 = arith.addi %parallel_loop3A_111, %parallel_loop3A_154 : i32
      %parallel_loop3A_156 = arith.constant 16 : i32
      %parallel_loop3A_157 = arith.addi %parallel_loop3A_155, %parallel_loop3A_156 : i32
      %parallel_loop3A_158 = arith.index_cast %parallel_loop3A_157 : i32 to index
      %parallel_loop3A_159 = tpu.vector_load %arg6[%parallel_loop3A_158] {strides = array<i32>} : memref<16384xf32, #tpu.memory_space<vmem>>, vector<16xf32>,
      tpu.vector_store %arg6[%parallel_loop3A_158], %parallel_loop3A_149 {strides = array<i32>} : memref<16384xf32, #tpu.memory_space<vmem>>, vector<16xf32>,
      %parallel_loop3A_160 = vector.shape_cast %broadcast_in_dim3A_35 : vector<16x1xi32> to vector<16xi32>
      %parallel_loop3A_161 = tpu.dynamic_gather %parallel_loop3A_109[%parallel_loop3A_160] in [0] : vector<16xf32>, vector<16xi32> -> vector<16xf32>
      %parallel_loop3A_162 = arith.constant 128 : i32
      %parallel_loop3A_163 = arith.addi %parallel_loop3A_111, %parallel_loop3A_162 : i32
      %parallel_loop3A_164 = arith.index_cast %parallel_loop3A_163 : i32 to index
      %parallel_loop3A_165 = tpu.vector_load %arg6[%parallel_loop3A_164] {strides = array<i32>} : memref<16384xf32, #tpu.memory_space<vmem>>, vector<16xf32>,
      tpu.vector_store %arg6[%parallel_loop3A_164], %parallel_loop3A_161 {strides = array<i32>} : memref<16384xf32, #tpu.memory_space<vmem>>, vector<16xf32>,
      %parallel_loop3A_166 = arith.constant 128 : i32
      %parallel_loop3A_167 = arith.addi %parallel_loop3A_111, %parallel_loop3A_166 : i32
      %parallel_loop3A_168 = arith.constant 16 : i32
      %parallel_loop3A_169 = arith.addi %parallel_loop3A_167, %parallel_loop3A_168 : i32
      %parallel_loop3A_170 = arith.index_cast %parallel_loop3A_169 : i32 to index
      %parallel_loop3A_171 = tpu.vector_load %arg6[%parallel_loop3A_170] {strides = array<i32>} : memref<16384xf32, #tpu.memory_space<vmem>>, vector<16xf32>,
      tpu.vector_store %arg6[%parallel_loop3A_170], %parallel_loop3A_161 {strides = array<i32>} : memref<16384xf32, #tpu.memory_space<vmem>>, vector<16xf32>,
      %parallel_loop3A_172 = vector.shape_cast %broadcast_in_dim3A_37 : vector<16x1xi32> to vector<16xi32>
      %parallel_loop3A_173 = tpu.dynamic_gather %parallel_loop3A_109[%parallel_loop3A_172] in [0] : vector<16xf32>, vector<16xi32> -> vector<16xf32>
      %parallel_loop3A_174 = arith.constant 160 : i32
      %parallel_loop3A_175 = arith.addi %parallel_loop3A_111, %parallel_loop3A_174 : i32
      %parallel_loop3A_176 = arith.index_cast %parallel_loop3A_175 : i32 to index
      %parallel_loop3A_177 = tpu.vector_load %arg6[%parallel_loop3A_176] {strides = array<i32>} : memref<16384xf32, #tpu.memory_space<vmem>>, vector<16xf32>,
      tpu.vector_store %arg6[%parallel_loop3A_176], %parallel_loop3A_173 {strides = array<i32>} : memref<16384xf32, #tpu.memory_space<vmem>>, vector<16xf32>,
      %parallel_loop3A_178 = arith.constant 160 : i32
      %parallel_loop3A_179 = arith.addi %parallel_loop3A_111, %parallel_loop3A_178 : i32
      %parallel_loop3A_180 = arith.constant 16 : i32
      %parallel_loop3A_181 = arith.addi %parallel_loop3A_179, %parallel_loop3A_180 : i32
      %parallel_loop3A_182 = arith.index_cast %parallel_loop3A_181 : i32 to index
      %parallel_loop3A_183 = tpu.vector_load %arg6[%parallel_loop3A_182] {strides = array<i32>} : memref<16384xf32, #tpu.memory_space<vmem>>, vector<16xf32>,
      tpu.vector_store %arg6[%parallel_loop3A_182], %parallel_loop3A_173 {strides = array<i32>} : memref<16384xf32, #tpu.memory_space<vmem>>, vector<16xf32>,
      %parallel_loop3A_184 = vector.shape_cast %broadcast_in_dim3A_39 : vector<16x1xi32> to vector<16xi32>
      %parallel_loop3A_185 = tpu.dynamic_gather %parallel_loop3A_109[%parallel_loop3A_184] in [0] : vector<16xf32>, vector<16xi32> -> vector<16xf32>
      %parallel_loop3A_186 = arith.constant 192 : i32
      %parallel_loop3A_187 = arith.addi %parallel_loop3A_111, %parallel_loop3A_186 : i32
      %parallel_loop3A_188 = arith.index_cast %parallel_loop3A_187 : i32 to index
      %parallel_loop3A_189 = tpu.vector_load %arg6[%parallel_loop3A_188] {strides = array<i32>} : memref<16384xf32, #tpu.memory_space<vmem>>, vector<16xf32>,
      tpu.vector_store %arg6[%parallel_loop3A_188], %parallel_loop3A_185 {strides = array<i32>} : memref<16384xf32, #tpu.memory_space<vmem>>, vector<16xf32>,
      %parallel_loop3A_190 = arith.constant 192 : i32
      %parallel_loop3A_191 = arith.addi %parallel_loop3A_111, %parallel_loop3A_190 : i32
      %parallel_loop3A_192 = arith.constant 16 : i32
      %parallel_loop3A_193 = arith.addi %parallel_loop3A_191, %parallel_loop3A_192 : i32
      %parallel_loop3A_194 = arith.index_cast %parallel_loop3A_193 : i32 to index
      %parallel_loop3A_195 = tpu.vector_load %arg6[%parallel_loop3A_194] {strides = array<i32>} : memref<16384xf32, #tpu.memory_space<vmem>>, vector<16xf32>,
      tpu.vector_store %arg6[%parallel_loop3A_194], %parallel_loop3A_185 {strides = array<i32>} : memref<16384xf32, #tpu.memory_space<vmem>>, vector<16xf32>,
      %parallel_loop3A_196 = vector.shape_cast %broadcast_in_dim3A_41 : vector<16x1xi32> to vector<16xi32>
      %parallel_loop3A_197 = tpu.dynamic_gather %parallel_loop3A_109[%parallel_loop3A_196] in [0] : vector<16xf32>, vector<16xi32> -> vector<16xf32>
      %parallel_loop3A_198 = arith.constant 224 : i32
      %parallel_loop3A_199 = arith.addi %parallel_loop3A_111, %parallel_loop3A_198 : i32
      %parallel_loop3A_200 = arith.index_cast %parallel_loop3A_199 : i32 to index
      %parallel_loop3A_201 = tpu.vector_load %arg6[%parallel_loop3A_200] {strides = array<i32>} : memref<16384xf32, #tpu.memory_space<vmem>>, vector<16xf32>,
      tpu.vector_store %arg6[%parallel_loop3A_200], %parallel_loop3A_197 {strides = array<i32>} : memref<16384xf32, #tpu.memory_space<vmem>>, vector<16xf32>,
      %parallel_loop3A_202 = arith.constant 224 : i32
      %parallel_loop3A_203 = arith.addi %parallel_loop3A_111, %parallel_loop3A_202 : i32
      %parallel_loop3A_204 = arith.constant 16 : i32
      %parallel_loop3A_205 = arith.addi %parallel_loop3A_203, %parallel_loop3A_204 : i32
      %parallel_loop3A_206 = arith.index_cast %parallel_loop3A_205 : i32 to index
      %parallel_loop3A_207 = tpu.vector_load %arg6[%parallel_loop3A_206] {strides = array<i32>} : memref<16384xf32, #tpu.memory_space<vmem>>, vector<16xf32>,
      tpu.vector_store %arg6[%parallel_loop3A_206], %parallel_loop3A_197 {strides = array<i32>} : memref<16384xf32, #tpu.memory_space<vmem>>, vector<16xf32>,
      %parallel_loop3A_208 = vector.shape_cast %broadcast_in_dim3A_43 : vector<16x1xi32> to vector<16xi32>
      %parallel_loop3A_209 = tpu.dynamic_gather %parallel_loop3A_109[%parallel_loop3A_208] in [0] : vector<16xf32>, vector<16xi32> -> vector<16xf32>
      %parallel_loop3A_210 = arith.constant 256 : i32
      %parallel_loop3A_211 = arith.addi %parallel_loop3A_111, %parallel_loop3A_210 : i32
      %parallel_loop3A_212 = arith.index_cast %parallel_loop3A_211 : i32 to index
      %parallel_loop3A_213 = tpu.vector_load %arg6[%parallel_loop3A_212] {strides = array<i32>} : memref<16384xf32, #tpu.memory_space<vmem>>, vector<16xf32>,
      tpu.vector_store %arg6[%parallel_loop3A_212], %parallel_loop3A_209 {strides = array<i32>} : memref<16384xf32, #tpu.memory_space<vmem>>, vector<16xf32>,
      %parallel_loop3A_214 = arith.constant 256 : i32
      %parallel_loop3A_215 = arith.addi %parallel_loop3A_111, %parallel_loop3A_214 : i32
      %parallel_loop3A_216 = arith.constant 16 : i32
      %parallel_loop3A_217 = arith.addi %parallel_loop3A_215, %parallel_loop3A_216 : i32
      %parallel_loop3A_218 = arith.index_cast %parallel_loop3A_217 : i32 to index
      %parallel_loop3A_219 = tpu.vector_load %arg6[%parallel_loop3A_218] {strides = array<i32>} : memref<16384xf32, #tpu.memory_space<vmem>>, vector<16xf32>,
      tpu.vector_store %arg6[%parallel_loop3A_218], %parallel_loop3A_209 {strides = array<i32>} : memref<16384xf32, #tpu.memory_space<vmem>>, vector<16xf32>,
      %parallel_loop3A_220 = vector.shape_cast %broadcast_in_dim3A_45 : vector<16x1xi32> to vector<16xi32>
      %parallel_loop3A_221 = tpu.dynamic_gather %parallel_loop3A_109[%parallel_loop3A_220] in [0] : vector<16xf32>, vector<16xi32> -> vector<16xf32>
      %parallel_loop3A_222 = arith.constant 288 : i32
      %parallel_loop3A_223 = arith.addi %parallel_loop3A_111, %parallel_loop3A_222 : i32
      %parallel_loop3A_224 = arith.index_cast %parallel_loop3A_223 : i32 to index
      %parallel_loop3A_225 = tpu.vector_load %arg6[%parallel_loop3A_224] {strides = array<i32>} : memref<16384xf32, #tpu.memory_space<vmem>>, vector<16xf32>,
      tpu.vector_store %arg6[%parallel_loop3A_224], %parallel_loop3A_221 {strides = array<i32>} : memref<16384xf32, #tpu.memory_space<vmem>>, vector<16xf32>,
      %parallel_loop3A_226 = arith.constant 288 : i32
      %parallel_loop3A_227 = arith.addi %parallel_loop3A_111, %parallel_loop3A_226 : i32
      %parallel_loop3A_228 = arith.constant 16 : i32
      %parallel_loop3A_229 = arith.addi %parallel_loop3A_227, %parallel_loop3A_228 : i32
      %parallel_loop3A_230 = arith.index_cast %parallel_loop3A_229 : i32 to index
      %parallel_loop3A_231 = tpu.vector_load %arg6[%parallel_loop3A_230] {strides = array<i32>} : memref<16384xf32, #tpu.memory_space<vmem>>, vector<16xf32>,
      tpu.vector_store %arg6[%parallel_loop3A_230], %parallel_loop3A_221 {strides = array<i32>} : memref<16384xf32, #tpu.memory_space<vmem>>, vector<16xf32>,
      %parallel_loop3A_232 = vector.shape_cast %broadcast_in_dim3A_47 : vector<16x1xi32> to vector<16xi32>
      %parallel_loop3A_233 = tpu.dynamic_gather %parallel_loop3A_109[%parallel_loop3A_232] in [0] : vector<16xf32>, vector<16xi32> -> vector<16xf32>
      %parallel_loop3A_234 = arith.constant 320 : i32
      %parallel_loop3A_235 = arith.addi %parallel_loop3A_111, %parallel_loop3A_234 : i32
      %parallel_loop3A_236 = arith.index_cast %parallel_loop3A_235 : i32 to index
      %parallel_loop3A_237 = tpu.vector_load %arg6[%parallel_loop3A_236] {strides = array<i32>} : memref<16384xf32, #tpu.memory_space<vmem>>, vector<16xf32>,
      tpu.vector_store %arg6[%parallel_loop3A_236], %parallel_loop3A_233 {strides = array<i32>} : memref<16384xf32, #tpu.memory_space<vmem>>, vector<16xf32>,
      %parallel_loop3A_238 = arith.constant 320 : i32
      %parallel_loop3A_239 = arith.addi %parallel_loop3A_111, %parallel_loop3A_238 : i32
      %parallel_loop3A_240 = arith.constant 16 : i32
      %parallel_loop3A_241 = arith.addi %parallel_loop3A_239, %parallel_loop3A_240 : i32
      %parallel_loop3A_242 = arith.index_cast %parallel_loop3A_241 : i32 to index
      %parallel_loop3A_243 = tpu.vector_load %arg6[%parallel_loop3A_242] {strides = array<i32>} : memref<16384xf32, #tpu.memory_space<vmem>>, vector<16xf32>,
      tpu.vector_store %arg6[%parallel_loop3A_242], %parallel_loop3A_233 {strides = array<i32>} : memref<16384xf32, #tpu.memory_space<vmem>>, vector<16xf32>,
      %parallel_loop3A_244 = vector.shape_cast %broadcast_in_dim3A_49 : vector<16x1xi32> to vector<16xi32>
      %parallel_loop3A_245 = tpu.dynamic_gather %parallel_loop3A_109[%parallel_loop3A_244] in [0] : vector<16xf32>, vector<16xi32> -> vector<16xf32>
      %parallel_loop3A_246 = arith.constant 352 : i32
      %parallel_loop3A_247 = arith.addi %parallel_loop3A_111, %parallel_loop3A_246 : i32
      %parallel_loop3A_248 = arith.index_cast %parallel_loop3A_247 : i32 to index
      %parallel_loop3A_249 = tpu.vector_load %arg6[%parallel_loop3A_248] {strides = array<i32>} : memref<16384xf32, #tpu.memory_space<vmem>>, vector<16xf32>,
      tpu.vector_store %arg6[%parallel_loop3A_248], %parallel_loop3A_245 {strides = array<i32>} : memref<16384xf32, #tpu.memory_space<vmem>>, vector<16xf32>,
      %parallel_loop3A_250 = arith.constant 352 : i32
      %parallel_loop3A_251 = arith.addi %parallel_loop3A_111, %parallel_loop3A_250 : i32
      %parallel_loop3A_252 = arith.constant 16 : i32
      %parallel_loop3A_253 = arith.addi %parallel_loop3A_251, %parallel_loop3A_252 : i32
      %parallel_loop3A_254 = arith.index_cast %parallel_loop3A_253 : i32 to index
      %parallel_loop3A_255 = tpu.vector_load %arg6[%parallel_loop3A_254] {strides = array<i32>} : memref<16384xf32, #tpu.memory_space<vmem>>, vector<16xf32>,
      tpu.vector_store %arg6[%parallel_loop3A_254], %parallel_loop3A_245 {strides = array<i32>} : memref<16384xf32, #tpu.memory_space<vmem>>, vector<16xf32>,
      %parallel_loop3A_256 = vector.shape_cast %broadcast_in_dim3A_51 : vector<16x1xi32> to vector<16xi32>
      %parallel_loop3A_257 = tpu.dynamic_gather %parallel_loop3A_109[%parallel_loop3A_256] in [0] : vector<16xf32>, vector<16xi32> -> vector<16xf32>
      %parallel_loop3A_258 = arith.constant 384 : i32
      %parallel_loop3A_259 = arith.addi %parallel_loop3A_111, %parallel_loop3A_258 : i32
      %parallel_loop3A_260 = arith.index_cast %parallel_loop3A_259 : i32 to index
      %parallel_loop3A_261 = tpu.vector_load %arg6[%parallel_loop3A_260] {strides = array<i32>} : memref<16384xf32, #tpu.memory_space<vmem>>, vector<16xf32>,
      tpu.vector_store %arg6[%parallel_loop3A_260], %parallel_loop3A_257 {strides = array<i32>} : memref<16384xf32, #tpu.memory_space<vmem>>, vector<16xf32>,
      %parallel_loop3A_262 = arith.constant 384 : i32
      %parallel_loop3A_263 = arith.addi %parallel_loop3A_111, %parallel_loop3A_262 : i32
      %parallel_loop3A_264 = arith.constant 16 : i32
      %parallel_loop3A_265 = arith.addi %parallel_loop3A_263, %parallel_loop3A_264 : i32
      %parallel_loop3A_266 = arith.index_cast %parallel_loop3A_265 : i32 to index
      %parallel_loop3A_267 = tpu.vector_load %arg6[%parallel_loop3A_266] {strides = array<i32>} : memref<16384xf32, #tpu.memory_space<vmem>>, vector<16xf32>,
      tpu.vector_store %arg6[%parallel_loop3A_266], %parallel_loop3A_257 {strides = array<i32>} : memref<16384xf32, #tpu.memory_space<vmem>>, vector<16xf32>,
      %parallel_loop3A_268 = vector.shape_cast %broadcast_in_dim3A_53 : vector<16x1xi32> to vector<16xi32>
      %parallel_loop3A_269 = tpu.dynamic_gather %parallel_loop3A_109[%parallel_loop3A_268] in [0] : vector<16xf32>, vector<16xi32> -> vector<16xf32>
      %parallel_loop3A_270 = arith.constant 416 : i32
      %parallel_loop3A_271 = arith.addi %parallel_loop3A_111, %parallel_loop3A_270 : i32
      %parallel_loop3A_272 = arith.index_cast %parallel_loop3A_271 : i32 to index
      %parallel_loop3A_273 = tpu.vector_load %arg6[%parallel_loop3A_272] {strides = array<i32>} : memref<16384xf32, #tpu.memory_space<vmem>>, vector<16xf32>,
      tpu.vector_store %arg6[%parallel_loop3A_272], %parallel_loop3A_269 {strides = array<i32>} : memref<16384xf32, #tpu.memory_space<vmem>>, vector<16xf32>,
      %parallel_loop3A_274 = arith.constant 416 : i32
      %parallel_loop3A_275 = arith.addi %parallel_loop3A_111, %parallel_loop3A_274 : i32
      %parallel_loop3A_276 = arith.constant 16 : i32
      %parallel_loop3A_277 = arith.addi %parallel_loop3A_275, %parallel_loop3A_276 : i32
      %parallel_loop3A_278 = arith.index_cast %parallel_loop3A_277 : i32 to index
      %parallel_loop3A_279 = tpu.vector_load %arg6[%parallel_loop3A_278] {strides = array<i32>} : memref<16384xf32, #tpu.memory_space<vmem>>, vector<16xf32>,
      tpu.vector_store %arg6[%parallel_loop3A_278], %parallel_loop3A_269 {strides = array<i32>} : memref<16384xf32, #tpu.memory_space<vmem>>, vector<16xf32>,
      %parallel_loop3A_280 = vector.shape_cast %broadcast_in_dim3A_55 : vector<16x1xi32> to vector<16xi32>
      %parallel_loop3A_281 = tpu.dynamic_gather %parallel_loop3A_109[%parallel_loop3A_280] in [0] : vector<16xf32>, vector<16xi32> -> vector<16xf32>
      %parallel_loop3A_282 = arith.constant 448 : i32
      %parallel_loop3A_283 = arith.addi %parallel_loop3A_111, %parallel_loop3A_282 : i32
      %parallel_loop3A_284 = arith.index_cast %parallel_loop3A_283 : i32 to index
      %parallel_loop3A_285 = tpu.vector_load %arg6[%parallel_loop3A_284] {strides = array<i32>} : memref<16384xf32, #tpu.memory_space<vmem>>, vector<16xf32>,
      tpu.vector_store %arg6[%parallel_loop3A_284], %parallel_loop3A_281 {strides = array<i32>} : memref<16384xf32, #tpu.memory_space<vmem>>, vector<16xf32>,
      %parallel_loop3A_286 = arith.constant 448 : i32
      %parallel_loop3A_287 = arith.addi %parallel_loop3A_111, %parallel_loop3A_286 : i32
      %parallel_loop3A_288 = arith.constant 16 : i32
      %parallel_loop3A_289 = arith.addi %parallel_loop3A_287, %parallel_loop3A_288 : i32
      %parallel_loop3A_290 = arith.index_cast %parallel_loop3A_289 : i32 to index
      %parallel_loop3A_291 = tpu.vector_load %arg6[%parallel_loop3A_290] {strides = array<i32>} : memref<16384xf32, #tpu.memory_space<vmem>>, vector<16xf32>,
      tpu.vector_store %arg6[%parallel_loop3A_290], %parallel_loop3A_281 {strides = array<i32>} : memref<16384xf32, #tpu.memory_space<vmem>>, vector<16xf32>,
      %parallel_loop3A_292 = vector.shape_cast %broadcast_in_dim3A_57 : vector<16x1xi32> to vector<16xi32>
      %parallel_loop3A_293 = tpu.dynamic_gather %parallel_loop3A_109[%parallel_loop3A_292] in [0] : vector<16xf32>, vector<16xi32> -> vector<16xf32>
      %parallel_loop3A_294 = arith.constant 480 : i32
      %parallel_loop3A_295 = arith.addi %parallel_loop3A_111, %parallel_loop3A_294 : i32
      %parallel_loop3A_296 = arith.index_cast %parallel_loop3A_295 : i32 to index
      %parallel_loop3A_297 = tpu.vector_load %arg6[%parallel_loop3A_296] {strides = array<i32>} : memref<16384xf32, #tpu.memory_space<vmem>>, vector<16xf32>,
      tpu.vector_store %arg6[%parallel_loop3A_296], %parallel_loop3A_293 {strides = array<i32>} : memref<16384xf32, #tpu.memory_space<vmem>>, vector<16xf32>,
      %parallel_loop3A_298 = arith.constant 480 : i32
      %parallel_loop3A_299 = arith.addi %parallel_loop3A_111, %parallel_loop3A_298 : i32
      %parallel_loop3A_300 = arith.constant 16 : i32
      %parallel_loop3A_301 = arith.addi %parallel_loop3A_299, %parallel_loop3A_300 : i32
      %parallel_loop3A_302 = arith.index_cast %parallel_loop3A_301 : i32 to index
      %parallel_loop3A_303 = tpu.vector_load %arg6[%parallel_loop3A_302] {strides = array<i32>} : memref<16384xf32, #tpu.memory_space<vmem>>, vector<16xf32>,
      tpu.vector_store %arg6[%parallel_loop3A_302], %parallel_loop3A_293 {strides = array<i32>} : memref<16384xf32, #tpu.memory_space<vmem>>, vector<16xf32>,
    } {sc.loop_unroll_factor = 2 : i64, sc.parallel_access}
    %add3A_73 = arith.constant 16384 : i32
    %add3A_74 = arith.addi %mul3A_4, %add3A_73 : i32
    %dma_start3A_75 = tpu.memref_slice %arg3[%add3A_74] : memref<2097152xf32, #tpu.memory_space<hbm>> -> memref<16384xf32, #tpu.memory_space<hbm>>
    %dma_start3A_76 = tpu.memref_slice %arg3[%add3A_74] : memref<2097152xf32, #tpu.memory_space<hbm>> -> memref<16384xf32, #tpu.memory_space<hbm>>
    tpu.enqueue_dma source(%arg6 : memref<16384xf32, #tpu.memory_space<vmem>>) target(%dma_start3A_76 : memref<16384xf32, #tpu.memory_space<hbm>>) target_semaphore(%arg10 : memref<!tpu.dma_semaphore, #tpu.memory_space<semaphore_mem>>)
    %dma_wait3A_77 = tpu.memref_slice %arg3[%add3A_61] : memref<2097152xf32, #tpu.memory_space<hbm>> -> memref<16384xf32, #tpu.memory_space<hbm>>
    %dma_wait3A_78 = tpu.memref_slice %arg3[%add3A_61] : memref<2097152xf32, #tpu.memory_space<hbm>> -> memref<16384xf32, #tpu.memory_space<hbm>>
    tpu.wait_dma2 semaphore(%arg9 : memref<!tpu.dma_semaphore, #tpu.memory_space<semaphore_mem>>) src(%arg5 : memref<16384xf32, #tpu.memory_space<vmem>>) dst(%dma_wait3A_78 : memref<16384xf32, #tpu.memory_space<hbm>>)
    %parallel_loop3A_79 = arith.constant 0 : i32
    %parallel_loop3A_80 = arith.constant 32 : i32
    %parallel_loop3A_81 = arith.constant 1 : i32
    scf.for %parallel_loop3A_99 = %parallel_loop3A_79 to %parallel_loop3A_80 step %parallel_loop3A_81  : i32 {
      %parallel_loop3A_100 = arith.constant 16 : i32
      %parallel_loop3A_101 = arith.muli %parallel_loop3A_99, %parallel_loop3A_100 : i32
      %parallel_loop3A_102 = arith.constant 1024 : i32
      %parallel_loop3A_103 = arith.addi %parallel_loop3A_102, %parallel_loop3A_101 : i32
      %parallel_loop3A_104 = arith.index_cast %parallel_loop3A_103 : i32 to index
      %parallel_loop3A_105 = tpu.vector_load %arg4[%parallel_loop3A_104] {strides = array<i32>} : memref<2048xf32, #tpu.memory_space<vmem>>, vector<16xf32>,
      %parallel_loop3A_106 = arith.constant 0.000000e+00 : f32
      %parallel_loop3A_107 = vector.broadcast %parallel_loop3A_106 : f32 to vector<16xf32>
      %parallel_loop3A_108 = arith.cmpf ogt, %parallel_loop3A_105, %parallel_loop3A_107 : vector<16xf32>
      %parallel_loop3A_109 = arith.select %parallel_loop3A_108, %broadcast_in_dim3A_23, %broadcast_in_dim3A_25 : vector<16xi1>, vector<16xf32>
      %parallel_loop3A_110 = arith.constant 512 : i32
      %parallel_loop3A_111 = arith.muli %parallel_loop3A_99, %parallel_loop3A_110 : i32
      %parallel_loop3A_112 = vector.shape_cast %broadcast_in_dim3A_27 : vector<16x1xi32> to vector<16xi32>
      %parallel_loop3A_113 = tpu.dynamic_gather %parallel_loop3A_109[%parallel_loop3A_112] in [0] : vector<16xf32>, vector<16xi32> -> vector<16xf32>
      %parallel_loop3A_114 = arith.constant 0 : i32
      %parallel_loop3A_115 = arith.addi %parallel_loop3A_111, %parallel_loop3A_114 : i32
      %parallel_loop3A_116 = arith.index_cast %parallel_loop3A_115 : i32 to index
      %parallel_loop3A_117 = tpu.vector_load %arg5[%parallel_loop3A_116] {strides = array<i32>} : memref<16384xf32, #tpu.memory_space<vmem>>, vector<16xf32>,
      tpu.vector_store %arg5[%parallel_loop3A_116], %parallel_loop3A_113 {strides = array<i32>} : memref<16384xf32, #tpu.memory_space<vmem>>, vector<16xf32>,
      %parallel_loop3A_118 = arith.constant 0 : i32
      %parallel_loop3A_119 = arith.addi %parallel_loop3A_111, %parallel_loop3A_118 : i32
      %parallel_loop3A_120 = arith.constant 16 : i32
      %parallel_loop3A_121 = arith.addi %parallel_loop3A_119, %parallel_loop3A_120 : i32
      %parallel_loop3A_122 = arith.index_cast %parallel_loop3A_121 : i32 to index
      %parallel_loop3A_123 = tpu.vector_load %arg5[%parallel_loop3A_122] {strides = array<i32>} : memref<16384xf32, #tpu.memory_space<vmem>>, vector<16xf32>,
      tpu.vector_store %arg5[%parallel_loop3A_122], %parallel_loop3A_113 {strides = array<i32>} : memref<16384xf32, #tpu.memory_space<vmem>>, vector<16xf32>,
      %parallel_loop3A_124 = vector.shape_cast %broadcast_in_dim3A_29 : vector<16x1xi32> to vector<16xi32>
      %parallel_loop3A_125 = tpu.dynamic_gather %parallel_loop3A_109[%parallel_loop3A_124] in [0] : vector<16xf32>, vector<16xi32> -> vector<16xf32>
      %parallel_loop3A_126 = arith.constant 32 : i32
      %parallel_loop3A_127 = arith.addi %parallel_loop3A_111, %parallel_loop3A_126 : i32
      %parallel_loop3A_128 = arith.index_cast %parallel_loop3A_127 : i32 to index
      %parallel_loop3A_129 = tpu.vector_load %arg5[%parallel_loop3A_128] {strides = array<i32>} : memref<16384xf32, #tpu.memory_space<vmem>>, vector<16xf32>,
      tpu.vector_store %arg5[%parallel_loop3A_128], %parallel_loop3A_125 {strides = array<i32>} : memref<16384xf32, #tpu.memory_space<vmem>>, vector<16xf32>,
      %parallel_loop3A_130 = arith.constant 32 : i32
      %parallel_loop3A_131 = arith.addi %parallel_loop3A_111, %parallel_loop3A_130 : i32
      %parallel_loop3A_132 = arith.constant 16 : i32
      %parallel_loop3A_133 = arith.addi %parallel_loop3A_131, %parallel_loop3A_132 : i32
      %parallel_loop3A_134 = arith.index_cast %parallel_loop3A_133 : i32 to index
      %parallel_loop3A_135 = tpu.vector_load %arg5[%parallel_loop3A_134] {strides = array<i32>} : memref<16384xf32, #tpu.memory_space<vmem>>, vector<16xf32>,
      tpu.vector_store %arg5[%parallel_loop3A_134], %parallel_loop3A_125 {strides = array<i32>} : memref<16384xf32, #tpu.memory_space<vmem>>, vector<16xf32>,
      %parallel_loop3A_136 = vector.shape_cast %broadcast_in_dim3A_31 : vector<16x1xi32> to vector<16xi32>
      %parallel_loop3A_137 = tpu.dynamic_gather %parallel_loop3A_109[%parallel_loop3A_136] in [0] : vector<16xf32>, vector<16xi32> -> vector<16xf32>
      %parallel_loop3A_138 = arith.constant 64 : i32
      %parallel_loop3A_139 = arith.addi %parallel_loop3A_111, %parallel_loop3A_138 : i32
      %parallel_loop3A_140 = arith.index_cast %parallel_loop3A_139 : i32 to index
      %parallel_loop3A_141 = tpu.vector_load %arg5[%parallel_loop3A_140] {strides = array<i32>} : memref<16384xf32, #tpu.memory_space<vmem>>, vector<16xf32>,
      tpu.vector_store %arg5[%parallel_loop3A_140], %parallel_loop3A_137 {strides = array<i32>} : memref<16384xf32, #tpu.memory_space<vmem>>, vector<16xf32>,
      %parallel_loop3A_142 = arith.constant 64 : i32
      %parallel_loop3A_143 = arith.addi %parallel_loop3A_111, %parallel_loop3A_142 : i32
      %parallel_loop3A_144 = arith.constant 16 : i32
      %parallel_loop3A_145 = arith.addi %parallel_loop3A_143, %parallel_loop3A_144 : i32
      %parallel_loop3A_146 = arith.index_cast %parallel_loop3A_145 : i32 to index
      %parallel_loop3A_147 = tpu.vector_load %arg5[%parallel_loop3A_146] {strides = array<i32>} : memref<16384xf32, #tpu.memory_space<vmem>>, vector<16xf32>,
      tpu.vector_store %arg5[%parallel_loop3A_146], %parallel_loop3A_137 {strides = array<i32>} : memref<16384xf32, #tpu.memory_space<vmem>>, vector<16xf32>,
      %parallel_loop3A_148 = vector.shape_cast %broadcast_in_dim3A_33 : vector<16x1xi32> to vector<16xi32>
      %parallel_loop3A_149 = tpu.dynamic_gather %parallel_loop3A_109[%parallel_loop3A_148] in [0] : vector<16xf32>, vector<16xi32> -> vector<16xf32>
      %parallel_loop3A_150 = arith.constant 96 : i32
      %parallel_loop3A_151 = arith.addi %parallel_loop3A_111, %parallel_loop3A_150 : i32
      %parallel_loop3A_152 = arith.index_cast %parallel_loop3A_151 : i32 to index
      %parallel_loop3A_153 = tpu.vector_load %arg5[%parallel_loop3A_152] {strides = array<i32>} : memref<16384xf32, #tpu.memory_space<vmem>>, vector<16xf32>,
      tpu.vector_store %arg5[%parallel_loop3A_152], %parallel_loop3A_149 {strides = array<i32>} : memref<16384xf32, #tpu.memory_space<vmem>>, vector<16xf32>,
      %parallel_loop3A_154 = arith.constant 96 : i32
      %parallel_loop3A_155 = arith.addi %parallel_loop3A_111, %parallel_loop3A_154 : i32
      %parallel_loop3A_156 = arith.constant 16 : i32
      %parallel_loop3A_157 = arith.addi %parallel_loop3A_155, %parallel_loop3A_156 : i32
      %parallel_loop3A_158 = arith.index_cast %parallel_loop3A_157 : i32 to index
      %parallel_loop3A_159 = tpu.vector_load %arg5[%parallel_loop3A_158] {strides = array<i32>} : memref<16384xf32, #tpu.memory_space<vmem>>, vector<16xf32>,
      tpu.vector_store %arg5[%parallel_loop3A_158], %parallel_loop3A_149 {strides = array<i32>} : memref<16384xf32, #tpu.memory_space<vmem>>, vector<16xf32>,
      %parallel_loop3A_160 = vector.shape_cast %broadcast_in_dim3A_35 : vector<16x1xi32> to vector<16xi32>
      %parallel_loop3A_161 = tpu.dynamic_gather %parallel_loop3A_109[%parallel_loop3A_160] in [0] : vector<16xf32>, vector<16xi32> -> vector<16xf32>
      %parallel_loop3A_162 = arith.constant 128 : i32
      %parallel_loop3A_163 = arith.addi %parallel_loop3A_111, %parallel_loop3A_162 : i32
      %parallel_loop3A_164 = arith.index_cast %parallel_loop3A_163 : i32 to index
      %parallel_loop3A_165 = tpu.vector_load %arg5[%parallel_loop3A_164] {strides = array<i32>} : memref<16384xf32, #tpu.memory_space<vmem>>, vector<16xf32>,
      tpu.vector_store %arg5[%parallel_loop3A_164], %parallel_loop3A_161 {strides = array<i32>} : memref<16384xf32, #tpu.memory_space<vmem>>, vector<16xf32>,
      %parallel_loop3A_166 = arith.constant 128 : i32
      %parallel_loop3A_167 = arith.addi %parallel_loop3A_111, %parallel_loop3A_166 : i32
      %parallel_loop3A_168 = arith.constant 16 : i32
      %parallel_loop3A_169 = arith.addi %parallel_loop3A_167, %parallel_loop3A_168 : i32
      %parallel_loop3A_170 = arith.index_cast %parallel_loop3A_169 : i32 to index
      %parallel_loop3A_171 = tpu.vector_load %arg5[%parallel_loop3A_170] {strides = array<i32>} : memref<16384xf32, #tpu.memory_space<vmem>>, vector<16xf32>,
      tpu.vector_store %arg5[%parallel_loop3A_170], %parallel_loop3A_161 {strides = array<i32>} : memref<16384xf32, #tpu.memory_space<vmem>>, vector<16xf32>,
      %parallel_loop3A_172 = vector.shape_cast %broadcast_in_dim3A_37 : vector<16x1xi32> to vector<16xi32>
      %parallel_loop3A_173 = tpu.dynamic_gather %parallel_loop3A_109[%parallel_loop3A_172] in [0] : vector<16xf32>, vector<16xi32> -> vector<16xf32>
      %parallel_loop3A_174 = arith.constant 160 : i32
      %parallel_loop3A_175 = arith.addi %parallel_loop3A_111, %parallel_loop3A_174 : i32
      %parallel_loop3A_176 = arith.index_cast %parallel_loop3A_175 : i32 to index
      %parallel_loop3A_177 = tpu.vector_load %arg5[%parallel_loop3A_176] {strides = array<i32>} : memref<16384xf32, #tpu.memory_space<vmem>>, vector<16xf32>,
      tpu.vector_store %arg5[%parallel_loop3A_176], %parallel_loop3A_173 {strides = array<i32>} : memref<16384xf32, #tpu.memory_space<vmem>>, vector<16xf32>,
      %parallel_loop3A_178 = arith.constant 160 : i32
      %parallel_loop3A_179 = arith.addi %parallel_loop3A_111, %parallel_loop3A_178 : i32
      %parallel_loop3A_180 = arith.constant 16 : i32
      %parallel_loop3A_181 = arith.addi %parallel_loop3A_179, %parallel_loop3A_180 : i32
      %parallel_loop3A_182 = arith.index_cast %parallel_loop3A_181 : i32 to index
      %parallel_loop3A_183 = tpu.vector_load %arg5[%parallel_loop3A_182] {strides = array<i32>} : memref<16384xf32, #tpu.memory_space<vmem>>, vector<16xf32>,
      tpu.vector_store %arg5[%parallel_loop3A_182], %parallel_loop3A_173 {strides = array<i32>} : memref<16384xf32, #tpu.memory_space<vmem>>, vector<16xf32>,
      %parallel_loop3A_184 = vector.shape_cast %broadcast_in_dim3A_39 : vector<16x1xi32> to vector<16xi32>
      %parallel_loop3A_185 = tpu.dynamic_gather %parallel_loop3A_109[%parallel_loop3A_184] in [0] : vector<16xf32>, vector<16xi32> -> vector<16xf32>
      %parallel_loop3A_186 = arith.constant 192 : i32
      %parallel_loop3A_187 = arith.addi %parallel_loop3A_111, %parallel_loop3A_186 : i32
      %parallel_loop3A_188 = arith.index_cast %parallel_loop3A_187 : i32 to index
      %parallel_loop3A_189 = tpu.vector_load %arg5[%parallel_loop3A_188] {strides = array<i32>} : memref<16384xf32, #tpu.memory_space<vmem>>, vector<16xf32>,
      tpu.vector_store %arg5[%parallel_loop3A_188], %parallel_loop3A_185 {strides = array<i32>} : memref<16384xf32, #tpu.memory_space<vmem>>, vector<16xf32>,
      %parallel_loop3A_190 = arith.constant 192 : i32
      %parallel_loop3A_191 = arith.addi %parallel_loop3A_111, %parallel_loop3A_190 : i32
      %parallel_loop3A_192 = arith.constant 16 : i32
      %parallel_loop3A_193 = arith.addi %parallel_loop3A_191, %parallel_loop3A_192 : i32
      %parallel_loop3A_194 = arith.index_cast %parallel_loop3A_193 : i32 to index
      %parallel_loop3A_195 = tpu.vector_load %arg5[%parallel_loop3A_194] {strides = array<i32>} : memref<16384xf32, #tpu.memory_space<vmem>>, vector<16xf32>,
      tpu.vector_store %arg5[%parallel_loop3A_194], %parallel_loop3A_185 {strides = array<i32>} : memref<16384xf32, #tpu.memory_space<vmem>>, vector<16xf32>,
      %parallel_loop3A_196 = vector.shape_cast %broadcast_in_dim3A_41 : vector<16x1xi32> to vector<16xi32>
      %parallel_loop3A_197 = tpu.dynamic_gather %parallel_loop3A_109[%parallel_loop3A_196] in [0] : vector<16xf32>, vector<16xi32> -> vector<16xf32>
      %parallel_loop3A_198 = arith.constant 224 : i32
      %parallel_loop3A_199 = arith.addi %parallel_loop3A_111, %parallel_loop3A_198 : i32
      %parallel_loop3A_200 = arith.index_cast %parallel_loop3A_199 : i32 to index
      %parallel_loop3A_201 = tpu.vector_load %arg5[%parallel_loop3A_200] {strides = array<i32>} : memref<16384xf32, #tpu.memory_space<vmem>>, vector<16xf32>,
      tpu.vector_store %arg5[%parallel_loop3A_200], %parallel_loop3A_197 {strides = array<i32>} : memref<16384xf32, #tpu.memory_space<vmem>>, vector<16xf32>,
      %parallel_loop3A_202 = arith.constant 224 : i32
      %parallel_loop3A_203 = arith.addi %parallel_loop3A_111, %parallel_loop3A_202 : i32
      %parallel_loop3A_204 = arith.constant 16 : i32
      %parallel_loop3A_205 = arith.addi %parallel_loop3A_203, %parallel_loop3A_204 : i32
      %parallel_loop3A_206 = arith.index_cast %parallel_loop3A_205 : i32 to index
      %parallel_loop3A_207 = tpu.vector_load %arg5[%parallel_loop3A_206] {strides = array<i32>} : memref<16384xf32, #tpu.memory_space<vmem>>, vector<16xf32>,
      tpu.vector_store %arg5[%parallel_loop3A_206], %parallel_loop3A_197 {strides = array<i32>} : memref<16384xf32, #tpu.memory_space<vmem>>, vector<16xf32>,
      %parallel_loop3A_208 = vector.shape_cast %broadcast_in_dim3A_43 : vector<16x1xi32> to vector<16xi32>
      %parallel_loop3A_209 = tpu.dynamic_gather %parallel_loop3A_109[%parallel_loop3A_208] in [0] : vector<16xf32>, vector<16xi32> -> vector<16xf32>
      %parallel_loop3A_210 = arith.constant 256 : i32
      %parallel_loop3A_211 = arith.addi %parallel_loop3A_111, %parallel_loop3A_210 : i32
      %parallel_loop3A_212 = arith.index_cast %parallel_loop3A_211 : i32 to index
      %parallel_loop3A_213 = tpu.vector_load %arg5[%parallel_loop3A_212] {strides = array<i32>} : memref<16384xf32, #tpu.memory_space<vmem>>, vector<16xf32>,
      tpu.vector_store %arg5[%parallel_loop3A_212], %parallel_loop3A_209 {strides = array<i32>} : memref<16384xf32, #tpu.memory_space<vmem>>, vector<16xf32>,
      %parallel_loop3A_214 = arith.constant 256 : i32
      %parallel_loop3A_215 = arith.addi %parallel_loop3A_111, %parallel_loop3A_214 : i32
      %parallel_loop3A_216 = arith.constant 16 : i32
      %parallel_loop3A_217 = arith.addi %parallel_loop3A_215, %parallel_loop3A_216 : i32
      %parallel_loop3A_218 = arith.index_cast %parallel_loop3A_217 : i32 to index
      %parallel_loop3A_219 = tpu.vector_load %arg5[%parallel_loop3A_218] {strides = array<i32>} : memref<16384xf32, #tpu.memory_space<vmem>>, vector<16xf32>,
      tpu.vector_store %arg5[%parallel_loop3A_218], %parallel_loop3A_209 {strides = array<i32>} : memref<16384xf32, #tpu.memory_space<vmem>>, vector<16xf32>,
      %parallel_loop3A_220 = vector.shape_cast %broadcast_in_dim3A_45 : vector<16x1xi32> to vector<16xi32>
      %parallel_loop3A_221 = tpu.dynamic_gather %parallel_loop3A_109[%parallel_loop3A_220] in [0] : vector<16xf32>, vector<16xi32> -> vector<16xf32>
      %parallel_loop3A_222 = arith.constant 288 : i32
      %parallel_loop3A_223 = arith.addi %parallel_loop3A_111, %parallel_loop3A_222 : i32
      %parallel_loop3A_224 = arith.index_cast %parallel_loop3A_223 : i32 to index
      %parallel_loop3A_225 = tpu.vector_load %arg5[%parallel_loop3A_224] {strides = array<i32>} : memref<16384xf32, #tpu.memory_space<vmem>>, vector<16xf32>,
      tpu.vector_store %arg5[%parallel_loop3A_224], %parallel_loop3A_221 {strides = array<i32>} : memref<16384xf32, #tpu.memory_space<vmem>>, vector<16xf32>,
      %parallel_loop3A_226 = arith.constant 288 : i32
      %parallel_loop3A_227 = arith.addi %parallel_loop3A_111, %parallel_loop3A_226 : i32
      %parallel_loop3A_228 = arith.constant 16 : i32
      %parallel_loop3A_229 = arith.addi %parallel_loop3A_227, %parallel_loop3A_228 : i32
      %parallel_loop3A_230 = arith.index_cast %parallel_loop3A_229 : i32 to index
      %parallel_loop3A_231 = tpu.vector_load %arg5[%parallel_loop3A_230] {strides = array<i32>} : memref<16384xf32, #tpu.memory_space<vmem>>, vector<16xf32>,
      tpu.vector_store %arg5[%parallel_loop3A_230], %parallel_loop3A_221 {strides = array<i32>} : memref<16384xf32, #tpu.memory_space<vmem>>, vector<16xf32>,
      %parallel_loop3A_232 = vector.shape_cast %broadcast_in_dim3A_47 : vector<16x1xi32> to vector<16xi32>
      %parallel_loop3A_233 = tpu.dynamic_gather %parallel_loop3A_109[%parallel_loop3A_232] in [0] : vector<16xf32>, vector<16xi32> -> vector<16xf32>
      %parallel_loop3A_234 = arith.constant 320 : i32
      %parallel_loop3A_235 = arith.addi %parallel_loop3A_111, %parallel_loop3A_234 : i32
      %parallel_loop3A_236 = arith.index_cast %parallel_loop3A_235 : i32 to index
      %parallel_loop3A_237 = tpu.vector_load %arg5[%parallel_loop3A_236] {strides = array<i32>} : memref<16384xf32, #tpu.memory_space<vmem>>, vector<16xf32>,
      tpu.vector_store %arg5[%parallel_loop3A_236], %parallel_loop3A_233 {strides = array<i32>} : memref<16384xf32, #tpu.memory_space<vmem>>, vector<16xf32>,
      %parallel_loop3A_238 = arith.constant 320 : i32
      %parallel_loop3A_239 = arith.addi %parallel_loop3A_111, %parallel_loop3A_238 : i32
      %parallel_loop3A_240 = arith.constant 16 : i32
      %parallel_loop3A_241 = arith.addi %parallel_loop3A_239, %parallel_loop3A_240 : i32
      %parallel_loop3A_242 = arith.index_cast %parallel_loop3A_241 : i32 to index
      %parallel_loop3A_243 = tpu.vector_load %arg5[%parallel_loop3A_242] {strides = array<i32>} : memref<16384xf32, #tpu.memory_space<vmem>>, vector<16xf32>,
      tpu.vector_store %arg5[%parallel_loop3A_242], %parallel_loop3A_233 {strides = array<i32>} : memref<16384xf32, #tpu.memory_space<vmem>>, vector<16xf32>,
      %parallel_loop3A_244 = vector.shape_cast %broadcast_in_dim3A_49 : vector<16x1xi32> to vector<16xi32>
      %parallel_loop3A_245 = tpu.dynamic_gather %parallel_loop3A_109[%parallel_loop3A_244] in [0] : vector<16xf32>, vector<16xi32> -> vector<16xf32>
      %parallel_loop3A_246 = arith.constant 352 : i32
      %parallel_loop3A_247 = arith.addi %parallel_loop3A_111, %parallel_loop3A_246 : i32
      %parallel_loop3A_248 = arith.index_cast %parallel_loop3A_247 : i32 to index
      %parallel_loop3A_249 = tpu.vector_load %arg5[%parallel_loop3A_248] {strides = array<i32>} : memref<16384xf32, #tpu.memory_space<vmem>>, vector<16xf32>,
      tpu.vector_store %arg5[%parallel_loop3A_248], %parallel_loop3A_245 {strides = array<i32>} : memref<16384xf32, #tpu.memory_space<vmem>>, vector<16xf32>,
      %parallel_loop3A_250 = arith.constant 352 : i32
      %parallel_loop3A_251 = arith.addi %parallel_loop3A_111, %parallel_loop3A_250 : i32
      %parallel_loop3A_252 = arith.constant 16 : i32
      %parallel_loop3A_253 = arith.addi %parallel_loop3A_251, %parallel_loop3A_252 : i32
      %parallel_loop3A_254 = arith.index_cast %parallel_loop3A_253 : i32 to index
      %parallel_loop3A_255 = tpu.vector_load %arg5[%parallel_loop3A_254] {strides = array<i32>} : memref<16384xf32, #tpu.memory_space<vmem>>, vector<16xf32>,
      tpu.vector_store %arg5[%parallel_loop3A_254], %parallel_loop3A_245 {strides = array<i32>} : memref<16384xf32, #tpu.memory_space<vmem>>, vector<16xf32>,
      %parallel_loop3A_256 = vector.shape_cast %broadcast_in_dim3A_51 : vector<16x1xi32> to vector<16xi32>
      %parallel_loop3A_257 = tpu.dynamic_gather %parallel_loop3A_109[%parallel_loop3A_256] in [0] : vector<16xf32>, vector<16xi32> -> vector<16xf32>
      %parallel_loop3A_258 = arith.constant 384 : i32
      %parallel_loop3A_259 = arith.addi %parallel_loop3A_111, %parallel_loop3A_258 : i32
      %parallel_loop3A_260 = arith.index_cast %parallel_loop3A_259 : i32 to index
      %parallel_loop3A_261 = tpu.vector_load %arg5[%parallel_loop3A_260] {strides = array<i32>} : memref<16384xf32, #tpu.memory_space<vmem>>, vector<16xf32>,
      tpu.vector_store %arg5[%parallel_loop3A_260], %parallel_loop3A_257 {strides = array<i32>} : memref<16384xf32, #tpu.memory_space<vmem>>, vector<16xf32>,
      %parallel_loop3A_262 = arith.constant 384 : i32
      %parallel_loop3A_263 = arith.addi %parallel_loop3A_111, %parallel_loop3A_262 : i32
      %parallel_loop3A_264 = arith.constant 16 : i32
      %parallel_loop3A_265 = arith.addi %parallel_loop3A_263, %parallel_loop3A_264 : i32
      %parallel_loop3A_266 = arith.index_cast %parallel_loop3A_265 : i32 to index
      %parallel_loop3A_267 = tpu.vector_load %arg5[%parallel_loop3A_266] {strides = array<i32>} : memref<16384xf32, #tpu.memory_space<vmem>>, vector<16xf32>,
      tpu.vector_store %arg5[%parallel_loop3A_266], %parallel_loop3A_257 {strides = array<i32>} : memref<16384xf32, #tpu.memory_space<vmem>>, vector<16xf32>,
      %parallel_loop3A_268 = vector.shape_cast %broadcast_in_dim3A_53 : vector<16x1xi32> to vector<16xi32>
      %parallel_loop3A_269 = tpu.dynamic_gather %parallel_loop3A_109[%parallel_loop3A_268] in [0] : vector<16xf32>, vector<16xi32> -> vector<16xf32>
      %parallel_loop3A_270 = arith.constant 416 : i32
      %parallel_loop3A_271 = arith.addi %parallel_loop3A_111, %parallel_loop3A_270 : i32
      %parallel_loop3A_272 = arith.index_cast %parallel_loop3A_271 : i32 to index
      %parallel_loop3A_273 = tpu.vector_load %arg5[%parallel_loop3A_272] {strides = array<i32>} : memref<16384xf32, #tpu.memory_space<vmem>>, vector<16xf32>,
      tpu.vector_store %arg5[%parallel_loop3A_272], %parallel_loop3A_269 {strides = array<i32>} : memref<16384xf32, #tpu.memory_space<vmem>>, vector<16xf32>,
      %parallel_loop3A_274 = arith.constant 416 : i32
      %parallel_loop3A_275 = arith.addi %parallel_loop3A_111, %parallel_loop3A_274 : i32
      %parallel_loop3A_276 = arith.constant 16 : i32
      %parallel_loop3A_277 = arith.addi %parallel_loop3A_275, %parallel_loop3A_276 : i32
      %parallel_loop3A_278 = arith.index_cast %parallel_loop3A_277 : i32 to index
      %parallel_loop3A_279 = tpu.vector_load %arg5[%parallel_loop3A_278] {strides = array<i32>} : memref<16384xf32, #tpu.memory_space<vmem>>, vector<16xf32>,
      tpu.vector_store %arg5[%parallel_loop3A_278], %parallel_loop3A_269 {strides = array<i32>} : memref<16384xf32, #tpu.memory_space<vmem>>, vector<16xf32>,
      %parallel_loop3A_280 = vector.shape_cast %broadcast_in_dim3A_55 : vector<16x1xi32> to vector<16xi32>
      %parallel_loop3A_281 = tpu.dynamic_gather %parallel_loop3A_109[%parallel_loop3A_280] in [0] : vector<16xf32>, vector<16xi32> -> vector<16xf32>
      %parallel_loop3A_282 = arith.constant 448 : i32
      %parallel_loop3A_283 = arith.addi %parallel_loop3A_111, %parallel_loop3A_282 : i32
      %parallel_loop3A_284 = arith.index_cast %parallel_loop3A_283 : i32 to index
      %parallel_loop3A_285 = tpu.vector_load %arg5[%parallel_loop3A_284] {strides = array<i32>} : memref<16384xf32, #tpu.memory_space<vmem>>, vector<16xf32>,
      tpu.vector_store %arg5[%parallel_loop3A_284], %parallel_loop3A_281 {strides = array<i32>} : memref<16384xf32, #tpu.memory_space<vmem>>, vector<16xf32>,
      %parallel_loop3A_286 = arith.constant 448 : i32
      %parallel_loop3A_287 = arith.addi %parallel_loop3A_111, %parallel_loop3A_286 : i32
      %parallel_loop3A_288 = arith.constant 16 : i32
      %parallel_loop3A_289 = arith.addi %parallel_loop3A_287, %parallel_loop3A_288 : i32
      %parallel_loop3A_290 = arith.index_cast %parallel_loop3A_289 : i32 to index
      %parallel_loop3A_291 = tpu.vector_load %arg5[%parallel_loop3A_290] {strides = array<i32>} : memref<16384xf32, #tpu.memory_space<vmem>>, vector<16xf32>,
      tpu.vector_store %arg5[%parallel_loop3A_290], %parallel_loop3A_281 {strides = array<i32>} : memref<16384xf32, #tpu.memory_space<vmem>>, vector<16xf32>,
      %parallel_loop3A_292 = vector.shape_cast %broadcast_in_dim3A_57 : vector<16x1xi32> to vector<16xi32>
      %parallel_loop3A_293 = tpu.dynamic_gather %parallel_loop3A_109[%parallel_loop3A_292] in [0] : vector<16xf32>, vector<16xi32> -> vector<16xf32>
      %parallel_loop3A_294 = arith.constant 480 : i32
      %parallel_loop3A_295 = arith.addi %parallel_loop3A_111, %parallel_loop3A_294 : i32
      %parallel_loop3A_296 = arith.index_cast %parallel_loop3A_295 : i32 to index
      %parallel_loop3A_297 = tpu.vector_load %arg5[%parallel_loop3A_296] {strides = array<i32>} : memref<16384xf32, #tpu.memory_space<vmem>>, vector<16xf32>,
      tpu.vector_store %arg5[%parallel_loop3A_296], %parallel_loop3A_293 {strides = array<i32>} : memref<16384xf32, #tpu.memory_space<vmem>>, vector<16xf32>,
      %parallel_loop3A_298 = arith.constant 480 : i32
      %parallel_loop3A_299 = arith.addi %parallel_loop3A_111, %parallel_loop3A_298 : i32
      %parallel_loop3A_300 = arith.constant 16 : i32
      %parallel_loop3A_301 = arith.addi %parallel_loop3A_299, %parallel_loop3A_300 : i32
      %parallel_loop3A_302 = arith.index_cast %parallel_loop3A_301 : i32 to index
      %parallel_loop3A_303 = tpu.vector_load %arg5[%parallel_loop3A_302] {strides = array<i32>} : memref<16384xf32, #tpu.memory_space<vmem>>, vector<16xf32>,
      tpu.vector_store %arg5[%parallel_loop3A_302], %parallel_loop3A_293 {strides = array<i32>} : memref<16384xf32, #tpu.memory_space<vmem>>, vector<16xf32>,
    } {sc.loop_unroll_factor = 2 : i64, sc.parallel_access}
    %add3A_82 = arith.constant 32768 : i32
    %add3A_83 = arith.addi %mul3A_4, %add3A_82 : i32
    %dma_start3A_84 = tpu.memref_slice %arg3[%add3A_83] : memref<2097152xf32, #tpu.memory_space<hbm>> -> memref<16384xf32, #tpu.memory_space<hbm>>
    %dma_start3A_85 = tpu.memref_slice %arg3[%add3A_83] : memref<2097152xf32, #tpu.memory_space<hbm>> -> memref<16384xf32, #tpu.memory_space<hbm>>
    tpu.enqueue_dma source(%arg5 : memref<16384xf32, #tpu.memory_space<vmem>>) target(%dma_start3A_85 : memref<16384xf32, #tpu.memory_space<hbm>>) target_semaphore(%arg9 : memref<!tpu.dma_semaphore, #tpu.memory_space<semaphore_mem>>)
    %dma_wait3A_86 = tpu.memref_slice %arg3[%add3A_74] : memref<2097152xf32, #tpu.memory_space<hbm>> -> memref<16384xf32, #tpu.memory_space<hbm>>
    %dma_wait3A_87 = tpu.memref_slice %arg3[%add3A_74] : memref<2097152xf32, #tpu.memory_space<hbm>> -> memref<16384xf32, #tpu.memory_space<hbm>>
    tpu.wait_dma2 semaphore(%arg10 : memref<!tpu.dma_semaphore, #tpu.memory_space<semaphore_mem>>) src(%arg6 : memref<16384xf32, #tpu.memory_space<vmem>>) dst(%dma_wait3A_87 : memref<16384xf32, #tpu.memory_space<hbm>>)
    %parallel_loop3A_88 = arith.constant 0 : i32
    %parallel_loop3A_89 = arith.constant 32 : i32
    %parallel_loop3A_90 = arith.constant 1 : i32
    scf.for %parallel_loop3A_99 = %parallel_loop3A_88 to %parallel_loop3A_89 step %parallel_loop3A_90  : i32 {
      %parallel_loop3A_100 = arith.constant 16 : i32
      %parallel_loop3A_101 = arith.muli %parallel_loop3A_99, %parallel_loop3A_100 : i32
      %parallel_loop3A_102 = arith.constant 1536 : i32
      %parallel_loop3A_103 = arith.addi %parallel_loop3A_102, %parallel_loop3A_101 : i32
      %parallel_loop3A_104 = arith.index_cast %parallel_loop3A_103 : i32 to index
      %parallel_loop3A_105 = tpu.vector_load %arg4[%parallel_loop3A_104] {strides = array<i32>} : memref<2048xf32, #tpu.memory_space<vmem>>, vector<16xf32>,
      %parallel_loop3A_106 = arith.constant 0.000000e+00 : f32
      %parallel_loop3A_107 = vector.broadcast %parallel_loop3A_106 : f32 to vector<16xf32>
      %parallel_loop3A_108 = arith.cmpf ogt, %parallel_loop3A_105, %parallel_loop3A_107 : vector<16xf32>
      %parallel_loop3A_109 = arith.select %parallel_loop3A_108, %broadcast_in_dim3A_23, %broadcast_in_dim3A_25 : vector<16xi1>, vector<16xf32>
      %parallel_loop3A_110 = arith.constant 512 : i32
      %parallel_loop3A_111 = arith.muli %parallel_loop3A_99, %parallel_loop3A_110 : i32
      %parallel_loop3A_112 = vector.shape_cast %broadcast_in_dim3A_27 : vector<16x1xi32> to vector<16xi32>
      %parallel_loop3A_113 = tpu.dynamic_gather %parallel_loop3A_109[%parallel_loop3A_112] in [0] : vector<16xf32>, vector<16xi32> -> vector<16xf32>
      %parallel_loop3A_114 = arith.constant 0 : i32
      %parallel_loop3A_115 = arith.addi %parallel_loop3A_111, %parallel_loop3A_114 : i32
      %parallel_loop3A_116 = arith.index_cast %parallel_loop3A_115 : i32 to index
      %parallel_loop3A_117 = tpu.vector_load %arg6[%parallel_loop3A_116] {strides = array<i32>} : memref<16384xf32, #tpu.memory_space<vmem>>, vector<16xf32>,
      tpu.vector_store %arg6[%parallel_loop3A_116], %parallel_loop3A_113 {strides = array<i32>} : memref<16384xf32, #tpu.memory_space<vmem>>, vector<16xf32>,
      %parallel_loop3A_118 = arith.constant 0 : i32
      %parallel_loop3A_119 = arith.addi %parallel_loop3A_111, %parallel_loop3A_118 : i32
      %parallel_loop3A_120 = arith.constant 16 : i32
      %parallel_loop3A_121 = arith.addi %parallel_loop3A_119, %parallel_loop3A_120 : i32
      %parallel_loop3A_122 = arith.index_cast %parallel_loop3A_121 : i32 to index
      %parallel_loop3A_123 = tpu.vector_load %arg6[%parallel_loop3A_122] {strides = array<i32>} : memref<16384xf32, #tpu.memory_space<vmem>>, vector<16xf32>,
      tpu.vector_store %arg6[%parallel_loop3A_122], %parallel_loop3A_113 {strides = array<i32>} : memref<16384xf32, #tpu.memory_space<vmem>>, vector<16xf32>,
      %parallel_loop3A_124 = vector.shape_cast %broadcast_in_dim3A_29 : vector<16x1xi32> to vector<16xi32>
      %parallel_loop3A_125 = tpu.dynamic_gather %parallel_loop3A_109[%parallel_loop3A_124] in [0] : vector<16xf32>, vector<16xi32> -> vector<16xf32>
      %parallel_loop3A_126 = arith.constant 32 : i32
      %parallel_loop3A_127 = arith.addi %parallel_loop3A_111, %parallel_loop3A_126 : i32
      %parallel_loop3A_128 = arith.index_cast %parallel_loop3A_127 : i32 to index
      %parallel_loop3A_129 = tpu.vector_load %arg6[%parallel_loop3A_128] {strides = array<i32>} : memref<16384xf32, #tpu.memory_space<vmem>>, vector<16xf32>,
      tpu.vector_store %arg6[%parallel_loop3A_128], %parallel_loop3A_125 {strides = array<i32>} : memref<16384xf32, #tpu.memory_space<vmem>>, vector<16xf32>,
      %parallel_loop3A_130 = arith.constant 32 : i32
      %parallel_loop3A_131 = arith.addi %parallel_loop3A_111, %parallel_loop3A_130 : i32
      %parallel_loop3A_132 = arith.constant 16 : i32
      %parallel_loop3A_133 = arith.addi %parallel_loop3A_131, %parallel_loop3A_132 : i32
      %parallel_loop3A_134 = arith.index_cast %parallel_loop3A_133 : i32 to index
      %parallel_loop3A_135 = tpu.vector_load %arg6[%parallel_loop3A_134] {strides = array<i32>} : memref<16384xf32, #tpu.memory_space<vmem>>, vector<16xf32>,
      tpu.vector_store %arg6[%parallel_loop3A_134], %parallel_loop3A_125 {strides = array<i32>} : memref<16384xf32, #tpu.memory_space<vmem>>, vector<16xf32>,
      %parallel_loop3A_136 = vector.shape_cast %broadcast_in_dim3A_31 : vector<16x1xi32> to vector<16xi32>
      %parallel_loop3A_137 = tpu.dynamic_gather %parallel_loop3A_109[%parallel_loop3A_136] in [0] : vector<16xf32>, vector<16xi32> -> vector<16xf32>
      %parallel_loop3A_138 = arith.constant 64 : i32
      %parallel_loop3A_139 = arith.addi %parallel_loop3A_111, %parallel_loop3A_138 : i32
      %parallel_loop3A_140 = arith.index_cast %parallel_loop3A_139 : i32 to index
      %parallel_loop3A_141 = tpu.vector_load %arg6[%parallel_loop3A_140] {strides = array<i32>} : memref<16384xf32, #tpu.memory_space<vmem>>, vector<16xf32>,
      tpu.vector_store %arg6[%parallel_loop3A_140], %parallel_loop3A_137 {strides = array<i32>} : memref<16384xf32, #tpu.memory_space<vmem>>, vector<16xf32>,
      %parallel_loop3A_142 = arith.constant 64 : i32
      %parallel_loop3A_143 = arith.addi %parallel_loop3A_111, %parallel_loop3A_142 : i32
      %parallel_loop3A_144 = arith.constant 16 : i32
      %parallel_loop3A_145 = arith.addi %parallel_loop3A_143, %parallel_loop3A_144 : i32
      %parallel_loop3A_146 = arith.index_cast %parallel_loop3A_145 : i32 to index
      %parallel_loop3A_147 = tpu.vector_load %arg6[%parallel_loop3A_146] {strides = array<i32>} : memref<16384xf32, #tpu.memory_space<vmem>>, vector<16xf32>,
      tpu.vector_store %arg6[%parallel_loop3A_146], %parallel_loop3A_137 {strides = array<i32>} : memref<16384xf32, #tpu.memory_space<vmem>>, vector<16xf32>,
      %parallel_loop3A_148 = vector.shape_cast %broadcast_in_dim3A_33 : vector<16x1xi32> to vector<16xi32>
      %parallel_loop3A_149 = tpu.dynamic_gather %parallel_loop3A_109[%parallel_loop3A_148] in [0] : vector<16xf32>, vector<16xi32> -> vector<16xf32>
      %parallel_loop3A_150 = arith.constant 96 : i32
      %parallel_loop3A_151 = arith.addi %parallel_loop3A_111, %parallel_loop3A_150 : i32
      %parallel_loop3A_152 = arith.index_cast %parallel_loop3A_151 : i32 to index
      %parallel_loop3A_153 = tpu.vector_load %arg6[%parallel_loop3A_152] {strides = array<i32>} : memref<16384xf32, #tpu.memory_space<vmem>>, vector<16xf32>,
      tpu.vector_store %arg6[%parallel_loop3A_152], %parallel_loop3A_149 {strides = array<i32>} : memref<16384xf32, #tpu.memory_space<vmem>>, vector<16xf32>,
      %parallel_loop3A_154 = arith.constant 96 : i32
      %parallel_loop3A_155 = arith.addi %parallel_loop3A_111, %parallel_loop3A_154 : i32
      %parallel_loop3A_156 = arith.constant 16 : i32
      %parallel_loop3A_157 = arith.addi %parallel_loop3A_155, %parallel_loop3A_156 : i32
      %parallel_loop3A_158 = arith.index_cast %parallel_loop3A_157 : i32 to index
      %parallel_loop3A_159 = tpu.vector_load %arg6[%parallel_loop3A_158] {strides = array<i32>} : memref<16384xf32, #tpu.memory_space<vmem>>, vector<16xf32>,
      tpu.vector_store %arg6[%parallel_loop3A_158], %parallel_loop3A_149 {strides = array<i32>} : memref<16384xf32, #tpu.memory_space<vmem>>, vector<16xf32>,
      %parallel_loop3A_160 = vector.shape_cast %broadcast_in_dim3A_35 : vector<16x1xi32> to vector<16xi32>
      %parallel_loop3A_161 = tpu.dynamic_gather %parallel_loop3A_109[%parallel_loop3A_160] in [0] : vector<16xf32>, vector<16xi32> -> vector<16xf32>
      %parallel_loop3A_162 = arith.constant 128 : i32
      %parallel_loop3A_163 = arith.addi %parallel_loop3A_111, %parallel_loop3A_162 : i32
      %parallel_loop3A_164 = arith.index_cast %parallel_loop3A_163 : i32 to index
      %parallel_loop3A_165 = tpu.vector_load %arg6[%parallel_loop3A_164] {strides = array<i32>} : memref<16384xf32, #tpu.memory_space<vmem>>, vector<16xf32>,
      tpu.vector_store %arg6[%parallel_loop3A_164], %parallel_loop3A_161 {strides = array<i32>} : memref<16384xf32, #tpu.memory_space<vmem>>, vector<16xf32>,
      %parallel_loop3A_166 = arith.constant 128 : i32
      %parallel_loop3A_167 = arith.addi %parallel_loop3A_111, %parallel_loop3A_166 : i32
      %parallel_loop3A_168 = arith.constant 16 : i32
      %parallel_loop3A_169 = arith.addi %parallel_loop3A_167, %parallel_loop3A_168 : i32
      %parallel_loop3A_170 = arith.index_cast %parallel_loop3A_169 : i32 to index
      %parallel_loop3A_171 = tpu.vector_load %arg6[%parallel_loop3A_170] {strides = array<i32>} : memref<16384xf32, #tpu.memory_space<vmem>>, vector<16xf32>,
      tpu.vector_store %arg6[%parallel_loop3A_170], %parallel_loop3A_161 {strides = array<i32>} : memref<16384xf32, #tpu.memory_space<vmem>>, vector<16xf32>,
      %parallel_loop3A_172 = vector.shape_cast %broadcast_in_dim3A_37 : vector<16x1xi32> to vector<16xi32>
      %parallel_loop3A_173 = tpu.dynamic_gather %parallel_loop3A_109[%parallel_loop3A_172] in [0] : vector<16xf32>, vector<16xi32> -> vector<16xf32>
      %parallel_loop3A_174 = arith.constant 160 : i32
      %parallel_loop3A_175 = arith.addi %parallel_loop3A_111, %parallel_loop3A_174 : i32
      %parallel_loop3A_176 = arith.index_cast %parallel_loop3A_175 : i32 to index
      %parallel_loop3A_177 = tpu.vector_load %arg6[%parallel_loop3A_176] {strides = array<i32>} : memref<16384xf32, #tpu.memory_space<vmem>>, vector<16xf32>,
      tpu.vector_store %arg6[%parallel_loop3A_176], %parallel_loop3A_173 {strides = array<i32>} : memref<16384xf32, #tpu.memory_space<vmem>>, vector<16xf32>,
      %parallel_loop3A_178 = arith.constant 160 : i32
      %parallel_loop3A_179 = arith.addi %parallel_loop3A_111, %parallel_loop3A_178 : i32
      %parallel_loop3A_180 = arith.constant 16 : i32
      %parallel_loop3A_181 = arith.addi %parallel_loop3A_179, %parallel_loop3A_180 : i32
      %parallel_loop3A_182 = arith.index_cast %parallel_loop3A_181 : i32 to index
      %parallel_loop3A_183 = tpu.vector_load %arg6[%parallel_loop3A_182] {strides = array<i32>} : memref<16384xf32, #tpu.memory_space<vmem>>, vector<16xf32>,
      tpu.vector_store %arg6[%parallel_loop3A_182], %parallel_loop3A_173 {strides = array<i32>} : memref<16384xf32, #tpu.memory_space<vmem>>, vector<16xf32>,
      %parallel_loop3A_184 = vector.shape_cast %broadcast_in_dim3A_39 : vector<16x1xi32> to vector<16xi32>
      %parallel_loop3A_185 = tpu.dynamic_gather %parallel_loop3A_109[%parallel_loop3A_184] in [0] : vector<16xf32>, vector<16xi32> -> vector<16xf32>
      %parallel_loop3A_186 = arith.constant 192 : i32
      %parallel_loop3A_187 = arith.addi %parallel_loop3A_111, %parallel_loop3A_186 : i32
      %parallel_loop3A_188 = arith.index_cast %parallel_loop3A_187 : i32 to index
      %parallel_loop3A_189 = tpu.vector_load %arg6[%parallel_loop3A_188] {strides = array<i32>} : memref<16384xf32, #tpu.memory_space<vmem>>, vector<16xf32>,
      tpu.vector_store %arg6[%parallel_loop3A_188], %parallel_loop3A_185 {strides = array<i32>} : memref<16384xf32, #tpu.memory_space<vmem>>, vector<16xf32>,
      %parallel_loop3A_190 = arith.constant 192 : i32
      %parallel_loop3A_191 = arith.addi %parallel_loop3A_111, %parallel_loop3A_190 : i32
      %parallel_loop3A_192 = arith.constant 16 : i32
      %parallel_loop3A_193 = arith.addi %parallel_loop3A_191, %parallel_loop3A_192 : i32
      %parallel_loop3A_194 = arith.index_cast %parallel_loop3A_193 : i32 to index
      %parallel_loop3A_195 = tpu.vector_load %arg6[%parallel_loop3A_194] {strides = array<i32>} : memref<16384xf32, #tpu.memory_space<vmem>>, vector<16xf32>,
      tpu.vector_store %arg6[%parallel_loop3A_194], %parallel_loop3A_185 {strides = array<i32>} : memref<16384xf32, #tpu.memory_space<vmem>>, vector<16xf32>,
      %parallel_loop3A_196 = vector.shape_cast %broadcast_in_dim3A_41 : vector<16x1xi32> to vector<16xi32>
      %parallel_loop3A_197 = tpu.dynamic_gather %parallel_loop3A_109[%parallel_loop3A_196] in [0] : vector<16xf32>, vector<16xi32> -> vector<16xf32>
      %parallel_loop3A_198 = arith.constant 224 : i32
      %parallel_loop3A_199 = arith.addi %parallel_loop3A_111, %parallel_loop3A_198 : i32
      %parallel_loop3A_200 = arith.index_cast %parallel_loop3A_199 : i32 to index
      %parallel_loop3A_201 = tpu.vector_load %arg6[%parallel_loop3A_200] {strides = array<i32>} : memref<16384xf32, #tpu.memory_space<vmem>>, vector<16xf32>,
      tpu.vector_store %arg6[%parallel_loop3A_200], %parallel_loop3A_197 {strides = array<i32>} : memref<16384xf32, #tpu.memory_space<vmem>>, vector<16xf32>,
      %parallel_loop3A_202 = arith.constant 224 : i32
      %parallel_loop3A_203 = arith.addi %parallel_loop3A_111, %parallel_loop3A_202 : i32
      %parallel_loop3A_204 = arith.constant 16 : i32
      %parallel_loop3A_205 = arith.addi %parallel_loop3A_203, %parallel_loop3A_204 : i32
      %parallel_loop3A_206 = arith.index_cast %parallel_loop3A_205 : i32 to index
      %parallel_loop3A_207 = tpu.vector_load %arg6[%parallel_loop3A_206] {strides = array<i32>} : memref<16384xf32, #tpu.memory_space<vmem>>, vector<16xf32>,
      tpu.vector_store %arg6[%parallel_loop3A_206], %parallel_loop3A_197 {strides = array<i32>} : memref<16384xf32, #tpu.memory_space<vmem>>, vector<16xf32>,
      %parallel_loop3A_208 = vector.shape_cast %broadcast_in_dim3A_43 : vector<16x1xi32> to vector<16xi32>
      %parallel_loop3A_209 = tpu.dynamic_gather %parallel_loop3A_109[%parallel_loop3A_208] in [0] : vector<16xf32>, vector<16xi32> -> vector<16xf32>
      %parallel_loop3A_210 = arith.constant 256 : i32
      %parallel_loop3A_211 = arith.addi %parallel_loop3A_111, %parallel_loop3A_210 : i32
      %parallel_loop3A_212 = arith.index_cast %parallel_loop3A_211 : i32 to index
      %parallel_loop3A_213 = tpu.vector_load %arg6[%parallel_loop3A_212] {strides = array<i32>} : memref<16384xf32, #tpu.memory_space<vmem>>, vector<16xf32>,
      tpu.vector_store %arg6[%parallel_loop3A_212], %parallel_loop3A_209 {strides = array<i32>} : memref<16384xf32, #tpu.memory_space<vmem>>, vector<16xf32>,
      %parallel_loop3A_214 = arith.constant 256 : i32
      %parallel_loop3A_215 = arith.addi %parallel_loop3A_111, %parallel_loop3A_214 : i32
      %parallel_loop3A_216 = arith.constant 16 : i32
      %parallel_loop3A_217 = arith.addi %parallel_loop3A_215, %parallel_loop3A_216 : i32
      %parallel_loop3A_218 = arith.index_cast %parallel_loop3A_217 : i32 to index
      %parallel_loop3A_219 = tpu.vector_load %arg6[%parallel_loop3A_218] {strides = array<i32>} : memref<16384xf32, #tpu.memory_space<vmem>>, vector<16xf32>,
      tpu.vector_store %arg6[%parallel_loop3A_218], %parallel_loop3A_209 {strides = array<i32>} : memref<16384xf32, #tpu.memory_space<vmem>>, vector<16xf32>,
      %parallel_loop3A_220 = vector.shape_cast %broadcast_in_dim3A_45 : vector<16x1xi32> to vector<16xi32>
      %parallel_loop3A_221 = tpu.dynamic_gather %parallel_loop3A_109[%parallel_loop3A_220] in [0] : vector<16xf32>, vector<16xi32> -> vector<16xf32>
      %parallel_loop3A_222 = arith.constant 288 : i32
      %parallel_loop3A_223 = arith.addi %parallel_loop3A_111, %parallel_loop3A_222 : i32
      %parallel_loop3A_224 = arith.index_cast %parallel_loop3A_223 : i32 to index
      %parallel_loop3A_225 = tpu.vector_load %arg6[%parallel_loop3A_224] {strides = array<i32>} : memref<16384xf32, #tpu.memory_space<vmem>>, vector<16xf32>,
      tpu.vector_store %arg6[%parallel_loop3A_224], %parallel_loop3A_221 {strides = array<i32>} : memref<16384xf32, #tpu.memory_space<vmem>>, vector<16xf32>,
      %parallel_loop3A_226 = arith.constant 288 : i32
      %parallel_loop3A_227 = arith.addi %parallel_loop3A_111, %parallel_loop3A_226 : i32
      %parallel_loop3A_228 = arith.constant 16 : i32
      %parallel_loop3A_229 = arith.addi %parallel_loop3A_227, %parallel_loop3A_228 : i32
      %parallel_loop3A_230 = arith.index_cast %parallel_loop3A_229 : i32 to index
      %parallel_loop3A_231 = tpu.vector_load %arg6[%parallel_loop3A_230] {strides = array<i32>} : memref<16384xf32, #tpu.memory_space<vmem>>, vector<16xf32>,
      tpu.vector_store %arg6[%parallel_loop3A_230], %parallel_loop3A_221 {strides = array<i32>} : memref<16384xf32, #tpu.memory_space<vmem>>, vector<16xf32>,
      %parallel_loop3A_232 = vector.shape_cast %broadcast_in_dim3A_47 : vector<16x1xi32> to vector<16xi32>
      %parallel_loop3A_233 = tpu.dynamic_gather %parallel_loop3A_109[%parallel_loop3A_232] in [0] : vector<16xf32>, vector<16xi32> -> vector<16xf32>
      %parallel_loop3A_234 = arith.constant 320 : i32
      %parallel_loop3A_235 = arith.addi %parallel_loop3A_111, %parallel_loop3A_234 : i32
      %parallel_loop3A_236 = arith.index_cast %parallel_loop3A_235 : i32 to index
      %parallel_loop3A_237 = tpu.vector_load %arg6[%parallel_loop3A_236] {strides = array<i32>} : memref<16384xf32, #tpu.memory_space<vmem>>, vector<16xf32>,
      tpu.vector_store %arg6[%parallel_loop3A_236], %parallel_loop3A_233 {strides = array<i32>} : memref<16384xf32, #tpu.memory_space<vmem>>, vector<16xf32>,
      %parallel_loop3A_238 = arith.constant 320 : i32
      %parallel_loop3A_239 = arith.addi %parallel_loop3A_111, %parallel_loop3A_238 : i32
      %parallel_loop3A_240 = arith.constant 16 : i32
      %parallel_loop3A_241 = arith.addi %parallel_loop3A_239, %parallel_loop3A_240 : i32
      %parallel_loop3A_242 = arith.index_cast %parallel_loop3A_241 : i32 to index
      %parallel_loop3A_243 = tpu.vector_load %arg6[%parallel_loop3A_242] {strides = array<i32>} : memref<16384xf32, #tpu.memory_space<vmem>>, vector<16xf32>,
      tpu.vector_store %arg6[%parallel_loop3A_242], %parallel_loop3A_233 {strides = array<i32>} : memref<16384xf32, #tpu.memory_space<vmem>>, vector<16xf32>,
      %parallel_loop3A_244 = vector.shape_cast %broadcast_in_dim3A_49 : vector<16x1xi32> to vector<16xi32>
      %parallel_loop3A_245 = tpu.dynamic_gather %parallel_loop3A_109[%parallel_loop3A_244] in [0] : vector<16xf32>, vector<16xi32> -> vector<16xf32>
      %parallel_loop3A_246 = arith.constant 352 : i32
      %parallel_loop3A_247 = arith.addi %parallel_loop3A_111, %parallel_loop3A_246 : i32
      %parallel_loop3A_248 = arith.index_cast %parallel_loop3A_247 : i32 to index
      %parallel_loop3A_249 = tpu.vector_load %arg6[%parallel_loop3A_248] {strides = array<i32>} : memref<16384xf32, #tpu.memory_space<vmem>>, vector<16xf32>,
      tpu.vector_store %arg6[%parallel_loop3A_248], %parallel_loop3A_245 {strides = array<i32>} : memref<16384xf32, #tpu.memory_space<vmem>>, vector<16xf32>,
      %parallel_loop3A_250 = arith.constant 352 : i32
      %parallel_loop3A_251 = arith.addi %parallel_loop3A_111, %parallel_loop3A_250 : i32
      %parallel_loop3A_252 = arith.constant 16 : i32
      %parallel_loop3A_253 = arith.addi %parallel_loop3A_251, %parallel_loop3A_252 : i32
      %parallel_loop3A_254 = arith.index_cast %parallel_loop3A_253 : i32 to index
      %parallel_loop3A_255 = tpu.vector_load %arg6[%parallel_loop3A_254] {strides = array<i32>} : memref<16384xf32, #tpu.memory_space<vmem>>, vector<16xf32>,
      tpu.vector_store %arg6[%parallel_loop3A_254], %parallel_loop3A_245 {strides = array<i32>} : memref<16384xf32, #tpu.memory_space<vmem>>, vector<16xf32>,
      %parallel_loop3A_256 = vector.shape_cast %broadcast_in_dim3A_51 : vector<16x1xi32> to vector<16xi32>
      %parallel_loop3A_257 = tpu.dynamic_gather %parallel_loop3A_109[%parallel_loop3A_256] in [0] : vector<16xf32>, vector<16xi32> -> vector<16xf32>
      %parallel_loop3A_258 = arith.constant 384 : i32
      %parallel_loop3A_259 = arith.addi %parallel_loop3A_111, %parallel_loop3A_258 : i32
      %parallel_loop3A_260 = arith.index_cast %parallel_loop3A_259 : i32 to index
      %parallel_loop3A_261 = tpu.vector_load %arg6[%parallel_loop3A_260] {strides = array<i32>} : memref<16384xf32, #tpu.memory_space<vmem>>, vector<16xf32>,
      tpu.vector_store %arg6[%parallel_loop3A_260], %parallel_loop3A_257 {strides = array<i32>} : memref<16384xf32, #tpu.memory_space<vmem>>, vector<16xf32>,
      %parallel_loop3A_262 = arith.constant 384 : i32
      %parallel_loop3A_263 = arith.addi %parallel_loop3A_111, %parallel_loop3A_262 : i32
      %parallel_loop3A_264 = arith.constant 16 : i32
      %parallel_loop3A_265 = arith.addi %parallel_loop3A_263, %parallel_loop3A_264 : i32
      %parallel_loop3A_266 = arith.index_cast %parallel_loop3A_265 : i32 to index
      %parallel_loop3A_267 = tpu.vector_load %arg6[%parallel_loop3A_266] {strides = array<i32>} : memref<16384xf32, #tpu.memory_space<vmem>>, vector<16xf32>,
      tpu.vector_store %arg6[%parallel_loop3A_266], %parallel_loop3A_257 {strides = array<i32>} : memref<16384xf32, #tpu.memory_space<vmem>>, vector<16xf32>,
      %parallel_loop3A_268 = vector.shape_cast %broadcast_in_dim3A_53 : vector<16x1xi32> to vector<16xi32>
      %parallel_loop3A_269 = tpu.dynamic_gather %parallel_loop3A_109[%parallel_loop3A_268] in [0] : vector<16xf32>, vector<16xi32> -> vector<16xf32>
      %parallel_loop3A_270 = arith.constant 416 : i32
      %parallel_loop3A_271 = arith.addi %parallel_loop3A_111, %parallel_loop3A_270 : i32
      %parallel_loop3A_272 = arith.index_cast %parallel_loop3A_271 : i32 to index
      %parallel_loop3A_273 = tpu.vector_load %arg6[%parallel_loop3A_272] {strides = array<i32>} : memref<16384xf32, #tpu.memory_space<vmem>>, vector<16xf32>,
      tpu.vector_store %arg6[%parallel_loop3A_272], %parallel_loop3A_269 {strides = array<i32>} : memref<16384xf32, #tpu.memory_space<vmem>>, vector<16xf32>,
      %parallel_loop3A_274 = arith.constant 416 : i32
      %parallel_loop3A_275 = arith.addi %parallel_loop3A_111, %parallel_loop3A_274 : i32
      %parallel_loop3A_276 = arith.constant 16 : i32
      %parallel_loop3A_277 = arith.addi %parallel_loop3A_275, %parallel_loop3A_276 : i32
      %parallel_loop3A_278 = arith.index_cast %parallel_loop3A_277 : i32 to index
      %parallel_loop3A_279 = tpu.vector_load %arg6[%parallel_loop3A_278] {strides = array<i32>} : memref<16384xf32, #tpu.memory_space<vmem>>, vector<16xf32>,
      tpu.vector_store %arg6[%parallel_loop3A_278], %parallel_loop3A_269 {strides = array<i32>} : memref<16384xf32, #tpu.memory_space<vmem>>, vector<16xf32>,
      %parallel_loop3A_280 = vector.shape_cast %broadcast_in_dim3A_55 : vector<16x1xi32> to vector<16xi32>
      %parallel_loop3A_281 = tpu.dynamic_gather %parallel_loop3A_109[%parallel_loop3A_280] in [0] : vector<16xf32>, vector<16xi32> -> vector<16xf32>
      %parallel_loop3A_282 = arith.constant 448 : i32
      %parallel_loop3A_283 = arith.addi %parallel_loop3A_111, %parallel_loop3A_282 : i32
      %parallel_loop3A_284 = arith.index_cast %parallel_loop3A_283 : i32 to index
      %parallel_loop3A_285 = tpu.vector_load %arg6[%parallel_loop3A_284] {strides = array<i32>} : memref<16384xf32, #tpu.memory_space<vmem>>, vector<16xf32>,
      tpu.vector_store %arg6[%parallel_loop3A_284], %parallel_loop3A_281 {strides = array<i32>} : memref<16384xf32, #tpu.memory_space<vmem>>, vector<16xf32>,
      %parallel_loop3A_286 = arith.constant 448 : i32
      %parallel_loop3A_287 = arith.addi %parallel_loop3A_111, %parallel_loop3A_286 : i32
      %parallel_loop3A_288 = arith.constant 16 : i32
      %parallel_loop3A_289 = arith.addi %parallel_loop3A_287, %parallel_loop3A_288 : i32
      %parallel_loop3A_290 = arith.index_cast %parallel_loop3A_289 : i32 to index
      %parallel_loop3A_291 = tpu.vector_load %arg6[%parallel_loop3A_290] {strides = array<i32>} : memref<16384xf32, #tpu.memory_space<vmem>>, vector<16xf32>,
      tpu.vector_store %arg6[%parallel_loop3A_290], %parallel_loop3A_281 {strides = array<i32>} : memref<16384xf32, #tpu.memory_space<vmem>>, vector<16xf32>,
      %parallel_loop3A_292 = vector.shape_cast %broadcast_in_dim3A_57 : vector<16x1xi32> to vector<16xi32>
      %parallel_loop3A_293 = tpu.dynamic_gather %parallel_loop3A_109[%parallel_loop3A_292] in [0] : vector<16xf32>, vector<16xi32> -> vector<16xf32>
      %parallel_loop3A_294 = arith.constant 480 : i32
      %parallel_loop3A_295 = arith.addi %parallel_loop3A_111, %parallel_loop3A_294 : i32
      %parallel_loop3A_296 = arith.index_cast %parallel_loop3A_295 : i32 to index
      %parallel_loop3A_297 = tpu.vector_load %arg6[%parallel_loop3A_296] {strides = array<i32>} : memref<16384xf32, #tpu.memory_space<vmem>>, vector<16xf32>,
      tpu.vector_store %arg6[%parallel_loop3A_296], %parallel_loop3A_293 {strides = array<i32>} : memref<16384xf32, #tpu.memory_space<vmem>>, vector<16xf32>,
      %parallel_loop3A_298 = arith.constant 480 : i32
      %parallel_loop3A_299 = arith.addi %parallel_loop3A_111, %parallel_loop3A_298 : i32
      %parallel_loop3A_300 = arith.constant 16 : i32
      %parallel_loop3A_301 = arith.addi %parallel_loop3A_299, %parallel_loop3A_300 : i32
      %parallel_loop3A_302 = arith.index_cast %parallel_loop3A_301 : i32 to index
      %parallel_loop3A_303 = tpu.vector_load %arg6[%parallel_loop3A_302] {strides = array<i32>} : memref<16384xf32, #tpu.memory_space<vmem>>, vector<16xf32>,
      tpu.vector_store %arg6[%parallel_loop3A_302], %parallel_loop3A_293 {strides = array<i32>} : memref<16384xf32, #tpu.memory_space<vmem>>, vector<16xf32>,
    } {sc.loop_unroll_factor = 2 : i64, sc.parallel_access}
    %add3A_91 = arith.constant 49152 : i32
    %add3A_92 = arith.addi %mul3A_4, %add3A_91 : i32
    %dma_start3A_93 = tpu.memref_slice %arg3[%add3A_92] : memref<2097152xf32, #tpu.memory_space<hbm>> -> memref<16384xf32, #tpu.memory_space<hbm>>
    %dma_start3A_94 = tpu.memref_slice %arg3[%add3A_92] : memref<2097152xf32, #tpu.memory_space<hbm>> -> memref<16384xf32, #tpu.memory_space<hbm>>
    tpu.enqueue_dma source(%arg6 : memref<16384xf32, #tpu.memory_space<vmem>>) target(%dma_start3A_94 : memref<16384xf32, #tpu.memory_space<hbm>>) target_semaphore(%arg10 : memref<!tpu.dma_semaphore, #tpu.memory_space<semaphore_mem>>)
    %dma_wait3A_95 = tpu.memref_slice %arg3[%add3A_83] : memref<2097152xf32, #tpu.memory_space<hbm>> -> memref<16384xf32, #tpu.memory_space<hbm>>
    %dma_wait3A_96 = tpu.memref_slice %arg3[%add3A_83] : memref<2097152xf32, #tpu.memory_space<hbm>> -> memref<16384xf32, #tpu.memory_space<hbm>>
    tpu.wait_dma2 semaphore(%arg9 : memref<!tpu.dma_semaphore, #tpu.memory_space<semaphore_mem>>) src(%arg5 : memref<16384xf32, #tpu.memory_space<vmem>>) dst(%dma_wait3A_96 : memref<16384xf32, #tpu.memory_space<hbm>>)
    %dma_wait3A_97 = tpu.memref_slice %arg3[%add3A_92] : memref<2097152xf32, #tpu.memory_space<hbm>> -> memref<16384xf32, #tpu.memory_space<hbm>>
    %dma_wait3A_98 = tpu.memref_slice %arg3[%add3A_92] : memref<2097152xf32, #tpu.memory_space<hbm>> -> memref<16384xf32, #tpu.memory_space<hbm>>
    tpu.wait_dma2 semaphore(%arg10 : memref<!tpu.dma_semaphore, #tpu.memory_space<semaphore_mem>>) src(%arg6 : memref<16384xf32, #tpu.memory_space<vmem>>) dst(%dma_wait3A_98 : memref<16384xf32, #tpu.memory_space<hbm>>)
    return
  }
}

module attributes {stable_mosaic.version = 14 : i64} {
  func.func @_tc_zero_body(%arg0: i32, %arg1: memref<262144xf32, #tpu.memory_space<vmem>>) attributes {dimension_semantics = [#tpu.dimension_semantics<arbitrary>], iteration_bounds = array<i64: 8>, scalar_prefetch = 0 : i64, scratch_operands = 0 : i64, tpu.core_type = #tpu.core_type<tc>, window_params = [{transform_indices = @transform_0, window_bounds = array<i64: 262144>}]} {
    %broadcast_in_dim3A = arith.constant 0.000000e+00 : f32
    %broadcast_in_dim3A_0 = vector.broadcast %broadcast_in_dim3A : f32 to vector<262144xf32>
    %swap3A = arith.constant 0 : index
    %swap3A_1 = vector.load %arg1[%swap3A] : memref<262144xf32, #tpu.memory_space<vmem>>, vector<262144xf32>
    tpu.vector_store %arg1[%swap3A], %broadcast_in_dim3A_0 {strides = array<i32>} : memref<262144xf32, #tpu.memory_space<vmem>>, vector<262144xf32>,
    return
  }
  func.func @transform_0(%arg0: i32) -> i32 {
    %c0_i32 = arith.constant 0 : i32
    return %arg0 : i32
  }
}

</mosaic_0001>

<sc_bundles>
// kernel: kernel.4.cloned.1.call-start
scs
__scs_entry_jumppad:
0x0: {  	(pc) =	sbr.rel $0x88, $3  }
0x1: {  	(tag) =	ssettag $0x0;
	lr =	simm.s32 $0x1  }
0x2: {  	[smem:$0x3FA0] =	sst lr;
	_ =	strace $0xD0000000  }
0x3: {  	_ = 	snop  }
0x4: {  	_ = 	snop  }
0x5: {  	_ = 	snop  }
0x6: {  	_ = 	snop  }
0x7: {  	_ = 	snop  }
__scs_overlays_trampoline_lowered:
0x8: {  	[smem:$0x3FAF] =	sst s0  }
0x9: {  	[smem:$0x3FB0] =	sst s1  }
0xa: {  	[smem:$0x3FB1] =	sst s2  }
0xb: {  	[smem:$0x3FB2] =	sst s3  }
0xc: {  	[smem:$0x3FB3] =	sst s4  }
0xd: {  	[smem:$0x3FB4] =	sst s5  }
0xe: {  	[smem:$0x3FB5] =	sst s6  }
0xf: {  	[smem:$0x3FB6] =	sst s7  }
0x10: {  	[smem:$0x3FB7] =	sst s8  }
0x11: {  	[smem:$0x3FB8] =	sst s9;
	s0 =	simm.s32 @!p0 $0x0  }
0x12: {  	s1 =	sld [smem:$0x3F9E];
	s0 =	simm.s32 @p0 $0x1  }
0x13: {  	[smem:$0x3FB9] =	sst s0;
	s0 =	simm.s32 @!p1 $0x0  }
0x14: {  	s2 =	sld [smem:$0x3F9D];
	s0 =	simm.s32 @p1 $0x1  }
0x15: {  	[smem:$0x3FBA] =	sst s0;
	s0 =	simm.s32 @!p2 $0x0  }
0x16: {  	s3 =	sld [smem:$0x3FDB];
	s0 =	simm.s32 @p2 $0x1  }
0x17: {  	s4 =	simm.s32 $0x1BF5;
	[smem:$0x3FBC] =	sst s0  }
0x18: {  	s0 =	sld [smem:$0x3F9F];
	_ =	swait.ge [sflag:s4], $0x0  }
0x19: {  	s7 =	sld [smem:$0x3FA0]  }
0x1a: {  	s8 =	sadd.s32 $0xFFFFE003, lr  }
0x1b: {  	s9 =	sadd.s32 $0xFFFFFEF7, lr;
	s5 =	simm.s32 $0xFFFFFFFF;
	p2 =	slt.u32 s8, $0xFFFFF086  }
0x1c: {  	p1 =	slt.u32 s9, $0xF7A;
	s5 =	simm.s32 @!p2 $0x0  }
0x1d: {  	s5 =	simm.s32 @p1 $0x1;
	p0 =	seq.s32 s7, s2  }
0x1e: {  	s7 =	smul.u32 @!p0 $0xF7A, s2;
	p2 =	seq.s32 @!p0 s5, $0x0  }
0x1f: {  	s9 =	smul.u32 $0xF7A, s1;
	s8 =	simm.s32 @!p0 $0x1BF5;
	p2 =	por !p2, p0  }
0x20: {  	[sflag:s8] =	ssyncset.s32 @!p0 $0xFFFFF086;
	s6 =	sadd.s32 @!p0 s3, s7;
	s7 =	simm.s32 @!p0 $0x108  }
0x21: {  	s3 =	sadd.s32 s3, s9;
	s6 =	sadd.s32 @!p0 $0x88, s6;
	s7 =	simm.s32 @p2 $0x1082  }
0x22: {  	[simem:s7], [sflag:s8] =	dma.local @!p0 [hbm:s6], $0xF7A  }
0x23: {  	s9 =	sor.u32 $0xD0000000, s2;
	s6 =	simm.s32 $0x108;
	_ =	swait.ge @!p0 [sflag:s8], $0x0  }
0x24: {  	s3 =	sadd.s32 $0x88, s3;
	s6 =	simm.s32 @!p1 $0x1082;
	[sflag:s4] =	ssyncset.s32 $0xFFFFF086  }
0x25: {  	[simem:s6], [sflag:s4] =	dma.local [hbm:s3], $0xF7A  }
0x26: {  	[smem:$0x3FA0] =	sst s1;
	(tag) =	ssettag s2;
	_ =	strace s9  }
0x27: {  	s1 =	sld [smem:$0x3FB0]  }
0x28: {  	s2 =	sld [smem:$0x3FB1]  }
0x29: {  	s4 =	sld [smem:$0x3FB3]  }
0x2a: {  	p0 =	seq.s32 s5, $0x0;
	s5 =	sld [smem:$0x3FB4]  }
0x2b: {  	s6 =	sld [smem:$0x3FB5]  }
0x2c: {  	s7 =	sld [smem:$0x3FB6]  }
0x2d: {  	s3 =	simm.s32 $0x108;
	s8 =	sld [smem:$0x3FB7]  }
0x2e: {  	s3 =	simm.s32 @!p0 $0x1082;
	s9 =	sld [smem:$0x3FB8]  }
0x2f: {  	lr =	sadd.s32 s0, s3;
	s0 =	sld [smem:$0x3FAF]  }
0x30: {  	s3 =	sld [smem:$0x3FB2]  }
0x31: {  	[smem:$0x3FBB] =	sst s10  }
0x32: {  	s10 =	sld [smem:$0x3FB9];
	_ =	sdelay $0x3  }
0x33: {  	p0 =	seq.s32 s10, $0x1;
	s10 =	sld [smem:$0x3FBB];
	_ =	sdelay $0x3  }
0x34: {  	[smem:$0x3FBB] =	sst s10  }
0x35: {  	s10 =	sld [smem:$0x3FBA];
	_ =	sdelay $0x3  }
0x36: {  	p1 =	seq.s32 s10, $0x1;
	s10 =	sld [smem:$0x3FBB];
	_ =	sdelay $0x3  }
0x37: {  	[smem:$0x3FBB] =	sst s10  }
0x38: {  	s10 =	sld [smem:$0x3FBC]  }
0x39: {  	_ = 	snop;
	(pc) =	sbr.ind lr, $3  }
0x3a: {  	_ = 	snop  }
0x3b: {  	_ = 	snop  }
0x3c: {  	p2 =	seq.s32 s10, $0x1;
	s10 =	sld [smem:$0x3FBB]  }
0x3d: {  	_ =	shalt  }
0x3e: {  	_ =	shalt  }
0x3f: {  	_ =	shalt  }
0x40: {  	_ =	shalt  }
0x41: {  	_ =	shalt  }
0x42: {  	_ =	shalt  }
0x43: {  	_ =	shalt  }
0x44: {  	_ =	shalt  }
0x45: {  	_ =	shalt  }
0x46: {  	_ =	shalt  }
0x47: {  	_ =	shalt  }
0x48: {  	_ =	shalt  }
0x49: {  	_ =	shalt  }
0x4a: {  	_ =	shalt  }
0x4b: {  	_ =	shalt  }
0x4c: {  	_ =	shalt  }
0x4d: {  	_ =	shalt  }
0x4e: {  	_ =	shalt  }
0x4f: {  	_ =	shalt  }
0x50: {  	_ =	shalt  }
0x51: {  	_ =	shalt  }
0x52: {  	_ =	shalt  }
0x53: {  	_ =	shalt  }
0x54: {  	_ =	shalt  }
0x55: {  	_ =	shalt  }
0x56: {  	_ =	shalt  }
0x57: {  	_ =	shalt  }
0x58: {  	_ =	shalt  }
0x59: {  	_ =	shalt  }
0x5a: {  	_ =	shalt  }
0x5b: {  	_ =	shalt  }
0x5c: {  	_ =	shalt  }
0x5d: {  	_ =	shalt  }
0x5e: {  	_ =	shalt  }
0x5f: {  	_ =	shalt  }
0x60: {  	_ =	shalt  }
0x61: {  	_ =	shalt  }
0x62: {  	_ =	shalt  }
0x63: {  	_ =	shalt  }
0x64: {  	_ =	shalt  }
0x65: {  	_ =	shalt  }
0x66: {  	_ =	shalt  }
0x67: {  	_ =	shalt  }
0x68: {  	_ =	shalt  }
0x69: {  	_ =	shalt  }
0x6a: {  	_ =	shalt  }
0x6b: {  	_ =	shalt  }
0x6c: {  	_ =	shalt  }
0x6d: {  	_ =	shalt  }
0x6e: {  	_ =	shalt  }
0x6f: {  	_ =	shalt  }
0x70: {  	_ =	shalt  }
0x71: {  	_ =	shalt  }
0x72: {  	_ =	shalt  }
0x73: {  	_ =	shalt  }
0x74: {  	_ =	shalt  }
0x75: {  	_ =	shalt  }
0x76: {  	_ =	shalt  }
0x77: {  	_ =	shalt  }
0x78: {  	_ =	shalt  }
0x79: {  	_ =	shalt  }
0x7a: {  	_ =	shalt  }
0x7b: {  	_ =	shalt  }
0x7c: {  	_ =	shalt  }
0x7d: {  	_ =	shalt  }
0x7e: {  	_ =	shalt  }
0x7f: {  	_ =	shalt  }
0x80: {  	_ =	shalt  }
0x81: {  	_ =	shalt  }
0x82: {  	_ =	shalt  }
0x83: {  	_ =	shalt  }
0x84: {  	_ =	shalt  }
0x85: {  	_ =	shalt  }
0x86: {  	_ =	shalt  }
0x87: {  	_ =	shalt  }
.Lfunc_end0:
.L_simem_size_0:
called_computation_lowered:
.L_overlay_start_0:
0x88: {  	s2 =	sld [smem:$0x3FD9]  }
0x89: {  	s3 =	sld [smem:$0x3FFE];
	_ =	sdelay $0x1  }
0x8a: {  	s1 =	srdreg.scid  }
0x8b: {  	s0 =	sand.u32 $0x1, s1  }
0x8c: {  	s15 =	sshll.u32 s0, $0xA;
	s2 =	sadd.s32 s3, s2  }
0x8d: {  	s2 =	sadd.s32 s2, s15  }
0x8e: {  	[smem:$0x3FC7] =	sst s2  }
0x8f: {  	_ = 	snop  }
0x90: {  	s2 =	sld [smem:$0x3FD0];
	_ =	sdelay $0x2  }
0x91: {  	s4 =	simm.s32 $0xA;
	s5 =	simm.s32 $0x10;
	s16 =	sld [smem:$0x3FC9]  }
0x92: {  	[smem:s5], [sflag:s4] =	dma.local [hbm:s2], $0x1  }
0x93: {  	_ =	swait.eq [sflag:s4], $0x1  }
0x94: {  	[sflag:s4] =	ssyncset.done $0x0  }
0x95: {  	[sflag:s4] =	ssyncadd.s32 $0xFFFFFFFF  }
0x96: {  	s17 =	sld [smem:$0x10];
	(tm) =	ssettm $0x1  }
0x97: {  	s18 =	sld [smem:$0x3FFB];
	_ =	sdelay $0x3  }
0x98: {  	_ =	strace s18  }
0x99: {  	s4 =	sld [smem:$0x3FFC];
	_ =	sdelay $0x3  }
0x9a: {  	_ =	strace s4  }
0x9b: {  	s4 =	sld [smem:$0x3FFD];
	_ =	sdelay $0x3  }
0x9c: {  	_ =	strace s4  }
0x9d: {  	_ =	strace $0x8FFFFFFF  }
0x9e: {  	s19 =	sld [smem:$0x3FDB];
	_ =	sdelay $0x1  }
0x9f: {  	s20 =	simm.s32 $_scs_section_size  }
0xa0: {  	s6 =	simm.s32 $_size__tile_overlayer_lowered;
	s7 =	simm.s32 $_tile_overlayer_lowered  }
0xa1: {  	s23 =	simm.s32 $0x1BFF;
	s22 =	sshll.u32 s7, $0x1;
	s4 =	sadd.s32 s20, s19  }
0xa2: {  	s8 =	simm.s32 $0x0;
	s21 =	sshll.u32 s6, $0x1;
	s6 =	sadd.s32 s22, s4  }
0xa3: {  	[timem:s8], [sflag:s23] =	dma.local [hbm:s6], s21  }
0xa4: {  	_ =	swait.ge [sflag:s23], s21  }
0xa5: {  	s5 =	ssub.s32 $0x0, s21;
	[sflag:s23] =	ssyncset.done $0x0  }
0xa6: {  	[sflag:s23] =	ssyncadd.s32 s5;
	_ =	sdelay $0x1  }
0xa7: {  	s24 =	simm.s32 $0x1B8B  }
0xa8: {  	_ =	swait.ge [sflag:s24], $0x1  }
0xa9: {  	[sflag:s24] =	ssyncset.done $0x0  }
0xaa: {  	s25 =	simm.s32 $0x1B8E;
	[sflag:s24] =	ssyncadd.s32 $0xFFFFFFFF  }
0xab: {  	s26 =	simm.s32 $execute0_lowered;
	[smem:$0x3FD2] =	sst s25  }
0xac: {  	s5 =	sshll.u32 s26, $0x1;
	_ =	strace $0x80000046;
	[dreg:$0x1] =	wrdreg $0xFFFFFFFF  }
0xad: {  	s28 =	simm.s32 $_size_execute0_lowered;
	s4 =	sadd.s32 s4, s5;
	[dreg:$0x0] =	wrdreg $0x0  }
0xae: {  	s5 =	sshll.u32 s28, $0x1;
	[dreg:$0x2] =	wrdreg s4  }
0xaf: {  	[dreg:$0x3] =	wrdreg s5  }
0xb0: {  	[dreg:$0x4] =	wrdreg $0xC0  }
0xb1: {  	_ =	task [dreg:s8], $0x5FFFF  }
0xb2: {  	[dreg:$0x1] =	wrdreg $0xFFFFFFFF  }
0xb3: {  	[dreg:$0x0] =	wrdreg $0x60  }
0xb4: {  	[dreg:$0x2] =	wrdreg s16  }
0xb5: {  	[dreg:$0x3] =	wrdreg s17  }
0xb6: {  	[dreg:$0x4] =	wrdreg $0x9  }
0xb7: {  	_ =	task.clear_ibuf [dreg:s8], $0x5FFFF;
	_ =	strace $0x90000046  }
0xb8: {  	s29 =	simm.s32 $0x9;
	_ =	strace $0x80000048  }
0xb9: {  	_ =	swait.ge [sflag:s29], $0x1  }
0xba: {  	[sflag:s29] =	ssyncadd.s32 $0xFFFFFFFF  }
0xbb: {  	_ =	strace $0x90000048  }
0xbc: {  	_ =	sfence  }
0xbd: {  	s30 =	sld [smem:$0x0];
	_ =	sdelay $0x2  }
0xbe: {  	s31 =	sshll.u32 s1, $0xD;
	s1 =	sshrl.u32 s1, $0x2  }
0xbf: {  	s3 =	sand.u32 $0x4000, s31;
	s1 =	sadd.s32 s1, s30  }
0xc0: {  	s0 =	sor.u32 s3, s0;
	s1 =	sshll.u32 s1, $0x11  }
0xc1: {  	s0 =	sor.u32 s1, s0  }
0xc2: {  	s0 =	sadd.s32 $0x8F2B, s0  }
0xc3: {  	[sflag:s0] =	ssyncadd.remote.s32 $0x1  }
0xc4: {  	_ =	sfence.sel $0xFFFF  }
0xc5: {  	[dreg:$0x0] =	wrdreg $0xFFFFFFFF;
	(pc) =	sbr.abs _section_cstart, $3  }
0xc6: {  	[dreg:$0x1] =	wrdreg $0xFFFFFFFF  }
0xc7: {  	_ =	task.clear_ibuf [dreg:s8], $0x2FFFF;
	_ =	strace $0x9FFFFFFF  }
0xc8: {  	(tm) =	ssettm $0x7FFFFFFF  }
0xc9: {  	_ =	shalt  }
tec
execute0_lowered:
.L_overlay_start_1:
0x0: {  	(tag) =	ssettag $0x1  }
0x1: {  	s3 =	rddreg [dreg:$0x0]  }
0x2: {  	s5 =	rddreg [dreg:$0x1]  }
0x3: {  	s0 =	rddreg [dreg:$0x2];
	s4 =	srdreg.scid  }
0x4: {  	s1 =	stileid.u32;
	s2 =	simm.s32 $0x0;
	s10 =	simm.s32 $0x200  }
0x5: {  	s11 =	simm.s32 $0x1;
	s12 =	simm.s32 $0x800;
	s13 =	simm.s32 $0x2  }
0x6: {  	s14 =	simm.s32 $0x4800;
	s15 =	simm.s32 $0x3;
	s16 =	simm.s32 $0x4  }
0x7: {  	v0 =	vimm.f32 $0.0e+00;
	v1 =	vimm.s32 $0x0;
	s4 =	sand.u32 $0x1, s4;
	s6 =	sshll.u32 s1, $0x1;
	[smem:$0x7FF] =	sst s2  }
0x8: {  	v2 =	vimm.s32 $0x1;
	v3 =	vimm.s32 $0x2;
	v4 =	vimm.s32 $0x3;
	s17 =	simm.s32 $0x0;
	s6 =	sor.u32 s4, s6;
	_ =	strace $0x80000047  }
0x9: {  	v5 =	vimm.s32 $0x4;
	v6 =	vimm.s32 $0x5;
	v7 =	vimm.s32 $0x6;
	s4 =	ssub.s32 $0x2, s4;
	s7 =	sshll.u32 s6, $0x8;
	s6 =	sshll.u32 s6, $0xD  }
0xa: {  	v8 =	vimm.s32 $0x7;
	v9 =	vimm.s32 $0x8;
	v10 =	vimm.s32 $0x9;
	s8 =	sshrl.u32 s4, $0x1;
	s3 =	sadd.s32 s3, s7;
	s5 =	sadd.s32 s5, s6  }
0xb: {  	v11 =	vimm.s32 $0xA;
	v12 =	vimm.s32 $0xB;
	v13 =	vimm.s32 $0xC;
	s9 =	ssub.s32 s4, s8;
	s4 =	sadd.s32 $0x40, s3;
	s6 =	sadd.s32 $0x800, s5  }
0xc: {  	v14 =	vimm.s32 $0xD;
	v15 =	vimm.s32 $0xE;
	v16 =	vimm.s32 $0xF;
	s7 =	sadd.s32 $0x1000, s5;
	s8 =	sadd.s32 $0x1800, s5;
	s9 =	smax.u32 s9, $0x1  }
.LBB2_1:
0xd: {  	[tilespmem:s2], [sflag:$0x1] =	stream.linear.gather [hbm4b:s3+s2], $0x200, $0x38;
	[tilespmem:$0x8800] =	vst v63  }
0xe: {  	_ = 	snop  }
0xf: {  	[tilespmem:s10], [sflag:$0x2] =	stream.linear.gather [hbm4b:s4+s2], $0x600, $0x38;
	[tilespmem:$0x8800] =	vst v63  }
0x10: {  	_ =	swait.ge [sflag:s11], $0x200  }
0x11: {  	[sflag:s11] =	ssyncset.done $0x0  }
0x12: {  	s18 =	simm.s32 $0x10;
	[sflag:s11] =	ssyncadd.s32 $0xFFFFFE00  }
0x13: {  	v17 =	vld [tilespmem:s18+$0x0]  }
0x14: {  	v18 =	vld [tilespmem:s18+$0xFFFFFFF0];
	_ =	sdelay $0x3  }
0x15: {  	vm0 =	vgt.f32 v17, $0.0e+00  }
0x16: {  	vm1 =	vgt.f32 v18, $0.0e+00;
	v18 =	vsel vm0, $0x3F800000, v0  }
0x17: {  	v19 =	vsel vm1, $0x3F800000, v0;
	v17 =	vperm.xlane v18, v16  }
0x18: {  	s18 =	simm.s32 $0xA00;
	v20 =	vperm.xlane v19, v1  }
0x19: {  	[tilespmem:s18+$0x1F0] =	vst v17  }
0x1a: {  	v21 =	vperm.xlane v19, v2;
	[tilespmem:s18+$0xFFFFFE00] =	vst v20  }
0x1b: {  	[tilespmem:s18+$0xFFFFFE10] =	vst v20  }
0x1c: {  	v22 =	vperm.xlane v18, v11;
	[tilespmem:s18+$0xFFFFFE20] =	vst v21  }
0x1d: {  	[tilespmem:s18+$0xFFFFFE30] =	vst v21  }
0x1e: {  	v20 =	vperm.xlane v19, v3;
	[tilespmem:s18+$0x140] =	vst v22  }
0x1f: {  	[tilespmem:s18+$0x150] =	vst v22  }
0x20: {  	v21 =	vperm.xlane v19, v4;
	[tilespmem:s18+$0xFFFFFE40] =	vst v20  }
0x21: {  	[tilespmem:s18+$0xFFFFFE50] =	vst v20  }
0x22: {  	v20 =	vperm.xlane v19, v5;
	[tilespmem:s18+$0xFFFFFE60] =	vst v21  }
0x23: {  	[tilespmem:s18+$0xFFFFFE70] =	vst v21  }
0x24: {  	v21 =	vperm.xlane v19, v6;
	[tilespmem:s18+$0xFFFFFE80] =	vst v20  }
0x25: {  	[tilespmem:s18+$0xFFFFFE90] =	vst v20  }
0x26: {  	v20 =	vperm.xlane v19, v7;
	[tilespmem:s18+$0xFFFFFEA0] =	vst v21  }
0x27: {  	[tilespmem:s18+$0xFFFFFEB0] =	vst v21  }
0x28: {  	v21 =	vperm.xlane v19, v8;
	[tilespmem:s18+$0xFFFFFEC0] =	vst v20  }
0x29: {  	[tilespmem:s18+$0xFFFFFED0] =	vst v20  }
0x2a: {  	v20 =	vperm.xlane v19, v9;
	[tilespmem:s18+$0xFFFFFEE0] =	vst v21  }
0x2b: {  	[tilespmem:s18+$0xFFFFFEF0] =	vst v21  }
0x2c: {  	v21 =	vperm.xlane v19, v10;
	[tilespmem:s18+$0xFFFFFF00] =	vst v20  }
0x2d: {  	[tilespmem:s18+$0xFFFFFF10] =	vst v20  }
0x2e: {  	v20 =	vperm.xlane v19, v11;
	[tilespmem:s18+$0xFFFFFF20] =	vst v21  }
0x2f: {  	[tilespmem:s18+$0xFFFFFF30] =	vst v21  }
0x30: {  	v21 =	vperm.xlane v19, v12;
	[tilespmem:s18+$0xFFFFFF40] =	vst v20  }
0x31: {  	[tilespmem:s18+$0xFFFFFF50] =	vst v20  }
0x32: {  	v20 =	vperm.xlane v19, v13;
	[tilespmem:s18+$0xFFFFFF60] =	vst v21  }
0x33: {  	[tilespmem:s18+$0xFFFFFF70] =	vst v21  }
0x34: {  	v21 =	vperm.xlane v19, v14;
	[tilespmem:s18+$0xFFFFFF80] =	vst v20  }
0x35: {  	[tilespmem:s18+$0xFFFFFF90] =	vst v20  }
0x36: {  	v20 =	vperm.xlane v19, v15;
	[tilespmem:s18+$0xFFFFFFA0] =	vst v21  }
0x37: {  	[tilespmem:s18+$0xFFFFFFB0] =	vst v21  }
0x38: {  	v19 =	vperm.xlane v19, v16;
	[tilespmem:s18+$0xFFFFFFC0] =	vst v20  }
0x39: {  	[tilespmem:s18+$0xFFFFFFD0] =	vst v20  }
0x3a: {  	v20 =	vperm.xlane v18, v1;
	[tilespmem:s18+$0xFFFFFFE0] =	vst v19  }
0x3b: {  	[tilespmem:s18+$0xFFFFFFF0] =	vst v19  }
0x3c: {  	v19 =	vperm.xlane v18, v2;
	[tilespmem:s18+$0x0] =	vst v20  }
0x3d: {  	[tilespmem:s18+$0x10] =	vst v20  }
0x3e: {  	v20 =	vperm.xlane v18, v3;
	[tilespmem:s18+$0x20] =	vst v19  }
0x3f: {  	[tilespmem:s18+$0x30] =	vst v19  }
0x40: {  	v19 =	vperm.xlane v18, v4;
	[tilespmem:s18+$0x40] =	vst v20  }
0x41: {  	[tilespmem:s18+$0x50] =	vst v20  }
0x42: {  	v20 =	vperm.xlane v18, v5;
	[tilespmem:s18+$0x60] =	vst v19  }
0x43: {  	[tilespmem:s18+$0x70] =	vst v19  }
0x44: {  	v19 =	vperm.xlane v18, v6;
	[tilespmem:s18+$0x80] =	vst v20  }
0x45: {  	[tilespmem:s18+$0x90] =	vst v20  }
0x46: {  	v20 =	vperm.xlane v18, v7;
	[tilespmem:s18+$0xA0] =	vst v19  }
0x47: {  	[tilespmem:s18+$0xB0] =	vst v19  }
0x48: {  	v19 =	vperm.xlane v18, v8;
	[tilespmem:s18+$0xC0] =	vst v20  }
0x49: {  	[tilespmem:s18+$0xD0] =	vst v20  }
0x4a: {  	v20 =	vperm.xlane v18, v9;
	[tilespmem:s18+$0xE0] =	vst v19  }
0x4b: {  	[tilespmem:s18+$0xF0] =	vst v19  }
0x4c: {  	v19 =	vperm.xlane v18, v10;
	[tilespmem:s18+$0x100] =	vst v20  }
0x4d: {  	[tilespmem:s18+$0x110] =	vst v20  }
0x4e: {  	v21 =	vperm.xlane v18, v12;
	[tilespmem:s18+$0x120] =	vst v19;
	v20 =	vperm.xlane v18, v13  }
0x4f: {  	s19 =	simm.s32 $0x0;
	s20 =	simm.s32 $0x30;
	[tilespmem:s18+$0x130] =	vst v19;
	v19 =	vperm.xlane v18, v14;
	v18 =	vperm.xlane v18, v15  }
.LBB2_2:
0x50: {  	v22 =	vld [tilespmem:s20+$0x0];
	s19 =	sadd.s32 $0x2, s19;
	[tilespmem:s18+$0x160] =	vst v21  }
0x51: {  	v23 =	vld [tilespmem:s20+$0xFFFFFFF0];
	p0 =	slt.u32 s19, $0x1E;
	[tilespmem:s18+$0x170] =	vst v21  }
0x52: {  	[tilespmem:s18+$0x180] =	vst v20  }
0x53: {  	[tilespmem:s18+$0x190] =	vst v20  }
0x54: {  	[tilespmem:s18+$0x1A0] =	vst v19  }
0x55: {  	vm0 =	vgt.f32 v22, $0.0e+00;
	[tilespmem:s18+$0x1B0] =	vst v19  }
0x56: {  	vm1 =	vgt.f32 v23, $0.0e+00;
	v22 =	vsel vm0, $0x3F800000, v0;
	[tilespmem:s18+$0x1C0] =	vst v18  }
0x57: {  	v19 =	vsel vm1, $0x3F800000, v0;
	v23 =	vperm.xlane v22, v1;
	v20 =	vperm.xlane v22, v16;
	[tilespmem:s18+$0x1D0] =	vst v18  }
0x58: {  	v18 =	vperm.xlane v19, v1;
	v21 =	vperm.xlane v19, v2;
	[tilespmem:s18+$0x1E0] =	vst v17;
	s18 =	sadd.s32 $0x400, s18  }
0x59: {  	v24 =	vperm.xlane v19, v3;
	v25 =	vperm.xlane v19, v4;
	[tilespmem:s18+$0x1F0] =	vst v20;
	v17 =	vmov v20  }
0x5a: {  	v26 =	vperm.xlane v19, v6;
	v20 =	vperm.xlane v19, v5;
	[tilespmem:s18+$0xFFFFFE00] =	vst v18  }
0x5b: {  	v27 =	vperm.xlane v19, v7;
	v28 =	vperm.xlane v19, v8;
	[tilespmem:s18+$0xFFFFFE10] =	vst v18  }
0x5c: {  	v29 =	vperm.xlane v19, v9;
	v30 =	vperm.xlane v19, v10;
	[tilespmem:s18+$0xFFFFFE20] =	vst v21  }
0x5d: {  	v31 =	vperm.xlane v19, v11;
	v32 =	vperm.xlane v19, v12;
	[tilespmem:s18+$0xFFFFFE30] =	vst v21  }
0x5e: {  	v33 =	vperm.xlane v19, v13;
	v34 =	vperm.xlane v19, v14;
	[tilespmem:s18+$0xFFFFFE40] =	vst v24  }
0x5f: {  	v35 =	vperm.xlane v19, v16;
	[tilespmem:s18+$0xFFFFFE50] =	vst v24;
	v24 =	vperm.xlane v19, v15  }
0x60: {  	v36 =	vperm.xlane v22, v2;
	v37 =	vperm.xlane v22, v3;
	[tilespmem:s18+$0xFFFFFE60] =	vst v25  }
0x61: {  	v38 =	vperm.xlane v22, v5;
	[tilespmem:s18+$0xFFFFFE70] =	vst v25;
	v25 =	vperm.xlane v22, v4  }
0x62: {  	v39 =	vperm.xlane v22, v6;
	v40 =	vperm.xlane v22, v7;
	[tilespmem:s18+$0xFFFFFE80] =	vst v20  }
0x63: {  	v41 =	vperm.xlane v22, v8;
	v42 =	vperm.xlane v22, v9;
	[tilespmem:s18+$0xFFFFFE90] =	vst v20  }
0x64: {  	v43 =	vperm.xlane v22, v10;
	v44 =	vperm.xlane v22, v11;
	[tilespmem:s18+$0xFFFFFEA0] =	vst v26  }
0x65: {  	v21 =	vperm.xlane v22, v12;
	v20 =	vperm.xlane v22, v13;
	[tilespmem:s18+$0xFFFFFEB0] =	vst v26  }
0x66: {  	v18 =	vperm.xlane v22, v15;
	v19 =	vperm.xlane v22, v14;
	[tilespmem:s18+$0xFFFFFEC0] =	vst v27  }
0x67: {  	[tilespmem:s18+$0xFFFFFED0] =	vst v27  }
0x68: {  	[tilespmem:s18+$0xFFFFFEE0] =	vst v28  }
0x69: {  	[tilespmem:s18+$0xFFFFFEF0] =	vst v28  }
0x6a: {  	[tilespmem:s18+$0xFFFFFF00] =	vst v29  }
0x6b: {  	[tilespmem:s18+$0xFFFFFF10] =	vst v29  }
0x6c: {  	[tilespmem:s18+$0xFFFFFF20] =	vst v30  }
0x6d: {  	[tilespmem:s18+$0xFFFFFF30] =	vst v30  }
0x6e: {  	[tilespmem:s18+$0xFFFFFF40] =	vst v31  }
0x6f: {  	[tilespmem:s18+$0xFFFFFF50] =	vst v31  }
0x70: {  	[tilespmem:s18+$0xFFFFFF60] =	vst v32  }
0x71: {  	[tilespmem:s18+$0xFFFFFF70] =	vst v32  }
0x72: {  	[tilespmem:s18+$0xFFFFFF80] =	vst v33  }
0x73: {  	[tilespmem:s18+$0xFFFFFF90] =	vst v33  }
0x74: {  	[tilespmem:s18+$0xFFFFFFA0] =	vst v34  }
0x75: {  	[tilespmem:s18+$0xFFFFFFB0] =	vst v34  }
0x76: {  	[tilespmem:s18+$0xFFFFFFC0] =	vst v24  }
0x77: {  	[tilespmem:s18+$0xFFFFFFD0] =	vst v24  }
0x78: {  	[tilespmem:s18+$0xFFFFFFE0] =	vst v35  }
0x79: {  	[tilespmem:s18+$0xFFFFFFF0] =	vst v35  }
0x7a: {  	[tilespmem:s18+$0x0] =	vst v23  }
0x7b: {  	[tilespmem:s18+$0x10] =	vst v23  }
0x7c: {  	[tilespmem:s18+$0x20] =	vst v36  }
0x7d: {  	[tilespmem:s18+$0x30] =	vst v36  }
0x7e: {  	[tilespmem:s18+$0x40] =	vst v37  }
0x7f: {  	[tilespmem:s18+$0x50] =	vst v37  }
0x80: {  	[tilespmem:s18+$0x60] =	vst v25  }
0x81: {  	[tilespmem:s18+$0x70] =	vst v25  }
0x82: {  	[tilespmem:s18+$0x80] =	vst v38  }
0x83: {  	[tilespmem:s18+$0x90] =	vst v38  }
0x84: {  	[tilespmem:s18+$0xA0] =	vst v39  }
0x85: {  	[tilespmem:s18+$0xB0] =	vst v39  }
0x86: {  	[tilespmem:s18+$0xC0] =	vst v40  }
0x87: {  	[tilespmem:s18+$0xD0] =	vst v40  }
0x88: {  	[tilespmem:s18+$0xE0] =	vst v41  }
0x89: {  	[tilespmem:s18+$0xF0] =	vst v41  }
0x8a: {  	[tilespmem:s18+$0x100] =	vst v42  }
.Ltmp0:
0x8b: {  	[tilespmem:s18+$0x110] =	vst v42;
	(pc) =	sbr.rel @p0 .LBB2_2-.Ltmp0, $4  }
0x8c: {  	[tilespmem:s18+$0x120] =	vst v43  }
0x8d: {  	[tilespmem:s18+$0x130] =	vst v43  }
0x8e: {  	[tilespmem:s18+$0x140] =	vst v44  }
0x8f: {  	s20 =	sadd.s32 $0x20, s20;
	[tilespmem:s18+$0x150] =	vst v44  }
0x90: {  	[tilespmem:s18+$0x160] =	vst v21  }
0x91: {  	[tilespmem:s18+$0x170] =	vst v21  }
0x92: {  	[tilespmem:s18+$0x180] =	vst v20  }
0x93: {  	[tilespmem:s18+$0x190] =	vst v20  }
0x94: {  	[tilespmem:s18+$0x1A0] =	vst v19  }
0x95: {  	[tilespmem:s18+$0x1B0] =	vst v19  }
0x96: {  	[tilespmem:s18+$0x1C0] =	vst v18  }
0x97: {  	[tilespmem:s18+$0x1D0] =	vst v18  }
0x98: {  	[tilespmem:s18+$0x1E0] =	vst v17;
	s19 =	simm.s32 $0x0  }
0x99: {  	[hbm4b:s5+s19] =	stream.linear.scatter [tilespmem:s12], [sflag:$0x3], $0x4000, $0x38;
	[tilespmem:$0x8800] =	vst v63  }
0x9a: {  	_ =	swait.ge [sflag:s13], $0x600  }
0x9b: {  	s31 =	simm.s32 $0x10;
	[sflag:s13] =	ssyncset.done $0x0  }
0x9c: {  	s18 =	sand.u32 $0x1F0, s31;
	[sflag:s13] =	ssyncadd.s32 $0xFFFFFA00  }
0x9d: {  	v17 =	vld [tilespmem:s18+$0x200];
	_ =	sdelay $0x4  }
0x9e: {  	vm0 =	vgt.f32 v17, $0.0e+00  }
0x9f: {  	v17 =	vsel vm0, $0x3F800000, v0  }
0xa0: {  	v18 =	vperm.xlane v17, v16  }
0xa1: {  	s18 =	simm.s32 $0x4A00;
	v19 =	vperm.xlane v17, v1  }
0xa2: {  	[tilespmem:s18+$0x1F0] =	vst v18  }
0xa3: {  	v20 =	vperm.xlane v17, v2;
	[tilespmem:s18+$0x0] =	vst v19  }
0xa4: {  	[tilespmem:s18+$0x10] =	vst v19  }
0xa5: {  	v21 =	vperm.xlane v17, v13;
	[tilespmem:s18+$0x20] =	vst v20  }
0xa6: {  	v19 =	vperm.xlane v17, v3;
	[tilespmem:s18+$0x30] =	vst v20  }
0xa7: {  	[tilespmem:s18+$0x180] =	vst v21  }
0xa8: {  	v20 =	vperm.xlane v17, v4;
	[tilespmem:s18+$0x40] =	vst v19  }
0xa9: {  	[tilespmem:s18+$0x50] =	vst v19  }
0xaa: {  	v19 =	vperm.xlane v17, v5;
	[tilespmem:s18+$0x60] =	vst v20  }
0xab: {  	[tilespmem:s18+$0x70] =	vst v20  }
0xac: {  	v20 =	vperm.xlane v17, v6;
	[tilespmem:s18+$0x80] =	vst v19  }
0xad: {  	[tilespmem:s18+$0x90] =	vst v19  }
0xae: {  	v19 =	vperm.xlane v17, v7;
	[tilespmem:s18+$0xA0] =	vst v20  }
0xaf: {  	[tilespmem:s18+$0xB0] =	vst v20  }
0xb0: {  	v20 =	vperm.xlane v17, v8;
	[tilespmem:s18+$0xC0] =	vst v19  }
0xb1: {  	[tilespmem:s18+$0xD0] =	vst v19  }
0xb2: {  	v19 =	vperm.xlane v17, v9;
	[tilespmem:s18+$0xE0] =	vst v20  }
0xb3: {  	[tilespmem:s18+$0xF0] =	vst v20  }
0xb4: {  	v20 =	vperm.xlane v17, v10;
	[tilespmem:s18+$0x100] =	vst v19  }
0xb5: {  	[tilespmem:s18+$0x110] =	vst v19  }
0xb6: {  	v19 =	vperm.xlane v17, v11;
	[tilespmem:s18+$0x120] =	vst v20  }
0xb7: {  	[tilespmem:s18+$0x130] =	vst v20  }
0xb8: {  	s19 =	sand.u32 $0x1E0, s19;
	[tilespmem:s18+$0x140] =	vst v19  }
0xb9: {  	v20 =	vperm.xlane v17, v12;
	[tilespmem:s18+$0x150] =	vst v19;
	v19 =	vld [tilespmem:s19+$0x200]  }
0xba: {  	[tilespmem:s18+$0x190] =	vst v21  }
0xbb: {  	[tilespmem:s18+$0x160] =	vst v20  }
0xbc: {  	[tilespmem:s18+$0x170] =	vst v20;
	v20 =	vperm.xlane v17, v14  }
0xbd: {  	[tilespmem:s18+$0x1E0] =	vst v18  }
0xbe: {  	v17 =	vperm.xlane v17, v15;
	[tilespmem:s18+$0x1A0] =	vst v20;
	vm15 =	vgt.f32 v19, $0.0e+00  }
0xbf: {  	[tilespmem:s18+$0x1B0] =	vst v20;
	v23 =	vsel vm15, $0x3F800000, v0  }
0xc0: {  	[tilespmem:s18+$0x1C0] =	vst v17;
	v19 =	vperm.xlane v23, v1  }
0xc1: {  	[tilespmem:s18+$0x1D0] =	vst v17  }
0xc2: {  	v17 =	vperm.xlane v23, v2;
	[tilespmem:s18+$0xFFFFFE00] =	vst v19  }
0xc3: {  	[tilespmem:s18+$0xFFFFFE10] =	vst v19  }
0xc4: {  	v18 =	vperm.xlane v23, v3;
	[tilespmem:s18+$0xFFFFFE20] =	vst v17  }
0xc5: {  	[tilespmem:s18+$0xFFFFFE30] =	vst v17  }
0xc6: {  	v22 =	vperm.xlane v23, v11;
	[tilespmem:s18+$0xFFFFFE40] =	vst v18  }
0xc7: {  	v17 =	vperm.xlane v23, v4;
	[tilespmem:s18+$0xFFFFFE50] =	vst v18  }
0xc8: {  	[tilespmem:s18+$0xFFFFFF40] =	vst v22  }
0xc9: {  	v18 =	vperm.xlane v23, v5;
	[tilespmem:s18+$0xFFFFFE60] =	vst v17  }
0xca: {  	[tilespmem:s18+$0xFFFFFE70] =	vst v17  }
0xcb: {  	v17 =	vperm.xlane v23, v6;
	[tilespmem:s18+$0xFFFFFE80] =	vst v18  }
0xcc: {  	[tilespmem:s18+$0xFFFFFE90] =	vst v18  }
0xcd: {  	v18 =	vperm.xlane v23, v7;
	[tilespmem:s18+$0xFFFFFEA0] =	vst v17  }
0xce: {  	[tilespmem:s18+$0xFFFFFEB0] =	vst v17  }
0xcf: {  	v17 =	vperm.xlane v23, v8;
	[tilespmem:s18+$0xFFFFFEC0] =	vst v18  }
0xd0: {  	[tilespmem:s18+$0xFFFFFED0] =	vst v18  }
0xd1: {  	v18 =	vperm.xlane v23, v9;
	[tilespmem:s18+$0xFFFFFEE0] =	vst v17  }
0xd2: {  	[tilespmem:s18+$0xFFFFFEF0] =	vst v17  }
0xd3: {  	v17 =	vperm.xlane v23, v10;
	[tilespmem:s18+$0xFFFFFF00] =	vst v18  }
0xd4: {  	v21 =	vperm.xlane v23, v12;
	[tilespmem:s18+$0xFFFFFF10] =	vst v18  }
0xd5: {  	v20 =	vperm.xlane v23, v13;
	v19 =	vperm.xlane v23, v14;
	[tilespmem:s18+$0xFFFFFF20] =	vst v17  }
0xd6: {  	s20 =	simm.s32 $0x20;
	s19 =	simm.s32 $0x0;
	v18 =	vperm.xlane v23, v15;
	[tilespmem:s18+$0xFFFFFF30] =	vst v17;
	v17 =	vperm.xlane v23, v16  }
.LBB2_4:
0xd7: {  	s21 =	sand.u32 $0x1E0, s20;
	s22 =	sadd.s32 $0x10, s20;
	s19 =	sadd.s32 $0x2, s19;
	[tilespmem:s18+$0xFFFFFF50] =	vst v22  }
0xd8: {  	v22 =	vld [tilespmem:s21+$0x200];
	s21 =	sand.u32 $0x1F0, s22;
	p0 =	slt.u32 s19, $0x1E;
	[tilespmem:s18+$0xFFFFFF60] =	vst v21  }
0xd9: {  	v23 =	vld [tilespmem:s21+$0x200];
	[tilespmem:s18+$0xFFFFFF70] =	vst v21  }
0xda: {  	[tilespmem:s18+$0xFFFFFF80] =	vst v20  }
0xdb: {  	[tilespmem:s18+$0xFFFFFF90] =	vst v20  }
0xdc: {  	[tilespmem:s18+$0xFFFFFFA0] =	vst v19  }
0xdd: {  	vm0 =	vgt.f32 v22, $0.0e+00;
	[tilespmem:s18+$0xFFFFFFB0] =	vst v19  }
0xde: {  	v24 =	vsel vm0, $0x3F800000, v0;
	vm0 =	vgt.f32 v23, $0.0e+00;
	[tilespmem:s18+$0xFFFFFFC0] =	vst v18  }
0xdf: {  	v23 =	vperm.xlane v24, v1;
	v25 =	vperm.xlane v24, v2;
	v19 =	vsel vm0, $0x3F800000, v0;
	[tilespmem:s18+$0xFFFFFFD0] =	vst v18  }
0xe0: {  	v18 =	vperm.xlane v19, v1;
	v26 =	vperm.xlane v19, v16;
	[tilespmem:s18+$0xFFFFFFE0] =	vst v17  }
0xe1: {  	v20 =	vperm.xlane v19, v2;
	v21 =	vperm.xlane v19, v3;
	[tilespmem:s18+$0xFFFFFFF0] =	vst v17;
	s18 =	sadd.s32 $0x400, s18  }
0xe2: {  	v27 =	vperm.xlane v19, v5;
	v17 =	vperm.xlane v19, v4;
	[tilespmem:s18+$0x1F0] =	vst v26  }
0xe3: {  	v28 =	vperm.xlane v19, v6;
	v29 =	vperm.xlane v19, v7;
	[tilespmem:s18+$0x0] =	vst v18  }
0xe4: {  	v30 =	vperm.xlane v19, v8;
	v31 =	vperm.xlane v19, v9;
	[tilespmem:s18+$0x10] =	vst v18  }
0xe5: {  	v32 =	vperm.xlane v19, v10;
	v33 =	vperm.xlane v19, v11;
	[tilespmem:s18+$0x20] =	vst v20  }
0xe6: {  	v34 =	vperm.xlane v19, v12;
	v35 =	vperm.xlane v19, v13;
	[tilespmem:s18+$0x30] =	vst v20  }
0xe7: {  	v36 =	vperm.xlane v19, v14;
	v37 =	vperm.xlane v19, v15;
	[tilespmem:s18+$0x40] =	vst v21  }
0xe8: {  	v38 =	vperm.xlane v24, v3;
	v39 =	vperm.xlane v24, v4;
	[tilespmem:s18+$0x50] =	vst v21  }
0xe9: {  	v40 =	vperm.xlane v24, v5;
	v41 =	vperm.xlane v24, v6;
	[tilespmem:s18+$0x60] =	vst v17  }
0xea: {  	v42 =	vperm.xlane v24, v7;
	v43 =	vperm.xlane v24, v8;
	[tilespmem:s18+$0x70] =	vst v17  }
0xeb: {  	v44 =	vperm.xlane v24, v9;
	v45 =	vperm.xlane v24, v10;
	[tilespmem:s18+$0x80] =	vst v27  }
0xec: {  	v22 =	vperm.xlane v24, v11;
	v21 =	vperm.xlane v24, v12;
	[tilespmem:s18+$0x90] =	vst v27  }
0xed: {  	v19 =	vperm.xlane v24, v14;
	v20 =	vperm.xlane v24, v13;
	[tilespmem:s18+$0xA0] =	vst v28  }
0xee: {  	v18 =	vperm.xlane v24, v15;
	v17 =	vperm.xlane v24, v16;
	[tilespmem:s18+$0xB0] =	vst v28  }
0xef: {  	[tilespmem:s18+$0xC0] =	vst v29  }
0xf0: {  	[tilespmem:s18+$0xD0] =	vst v29  }
0xf1: {  	[tilespmem:s18+$0xE0] =	vst v30  }
0xf2: {  	[tilespmem:s18+$0xF0] =	vst v30  }
0xf3: {  	[tilespmem:s18+$0x100] =	vst v31  }
0xf4: {  	[tilespmem:s18+$0x110] =	vst v31  }
0xf5: {  	[tilespmem:s18+$0x120] =	vst v32  }
0xf6: {  	[tilespmem:s18+$0x130] =	vst v32  }
0xf7: {  	[tilespmem:s18+$0x140] =	vst v33  }
0xf8: {  	[tilespmem:s18+$0x150] =	vst v33  }
0xf9: {  	[tilespmem:s18+$0x160] =	vst v34  }
0xfa: {  	[tilespmem:s18+$0x170] =	vst v34  }
0xfb: {  	[tilespmem:s18+$0x180] =	vst v35  }
0xfc: {  	[tilespmem:s18+$0x190] =	vst v35  }
0xfd: {  	[tilespmem:s18+$0x1A0] =	vst v36  }
0xfe: {  	[tilespmem:s18+$0x1B0] =	vst v36  }
0xff: {  	[tilespmem:s18+$0x1C0] =	vst v37  }
0x100: {  	[tilespmem:s18+$0x1D0] =	vst v37  }
0x101: {  	[tilespmem:s18+$0x1E0] =	vst v26  }
0x102: {  	[tilespmem:s18+$0xFFFFFE00] =	vst v23  }
0x103: {  	[tilespmem:s18+$0xFFFFFE10] =	vst v23  }
0x104: {  	[tilespmem:s18+$0xFFFFFE20] =	vst v25  }
0x105: {  	[tilespmem:s18+$0xFFFFFE30] =	vst v25  }
0x106: {  	[tilespmem:s18+$0xFFFFFE40] =	vst v38  }
0x107: {  	[tilespmem:s18+$0xFFFFFE50] =	vst v38  }
0x108: {  	[tilespmem:s18+$0xFFFFFE60] =	vst v39  }
0x109: {  	[tilespmem:s18+$0xFFFFFE70] =	vst v39  }
0x10a: {  	[tilespmem:s18+$0xFFFFFE80] =	vst v40  }
0x10b: {  	[tilespmem:s18+$0xFFFFFE90] =	vst v40  }
0x10c: {  	[tilespmem:s18+$0xFFFFFEA0] =	vst v41  }
0x10d: {  	[tilespmem:s18+$0xFFFFFEB0] =	vst v41  }
0x10e: {  	[tilespmem:s18+$0xFFFFFEC0] =	vst v42  }
0x10f: {  	[tilespmem:s18+$0xFFFFFED0] =	vst v42  }
0x110: {  	[tilespmem:s18+$0xFFFFFEE0] =	vst v43  }
0x111: {  	[tilespmem:s18+$0xFFFFFEF0] =	vst v43  }
.Ltmp1:
0x112: {  	[tilespmem:s18+$0xFFFFFF00] =	vst v44;
	(pc) =	sbr.rel @p0 .LBB2_4-.Ltmp1, $4  }
0x113: {  	[tilespmem:s18+$0xFFFFFF10] =	vst v44  }
0x114: {  	[tilespmem:s18+$0xFFFFFF20] =	vst v45  }
0x115: {  	[tilespmem:s18+$0xFFFFFF30] =	vst v45  }
0x116: {  	s20 =	sadd.s32 $0x20, s20;
	[tilespmem:s18+$0xFFFFFF40] =	vst v22  }
0x117: {  	[tilespmem:s18+$0xFFFFFF50] =	vst v22  }
0x118: {  	[tilespmem:s18+$0xFFFFFF60] =	vst v21  }
0x119: {  	[tilespmem:s18+$0xFFFFFF70] =	vst v21  }
0x11a: {  	[tilespmem:s18+$0xFFFFFF80] =	vst v20  }
0x11b: {  	[tilespmem:s18+$0xFFFFFF90] =	vst v20  }
0x11c: {  	[tilespmem:s18+$0xFFFFFFA0] =	vst v19  }
0x11d: {  	[tilespmem:s18+$0xFFFFFFB0] =	vst v19  }
0x11e: {  	[tilespmem:s18+$0xFFFFFFC0] =	vst v18  }
0x11f: {  	[tilespmem:s18+$0xFFFFFFD0] =	vst v18  }
0x120: {  	[tilespmem:s18+$0xFFFFFFE0] =	vst v17  }
0x121: {  	[tilespmem:s18+$0xFFFFFFF0] =	vst v17;
	s19 =	simm.s32 $0x0  }
0x122: {  	[hbm4b:s6+s19] =	stream.linear.scatter [tilespmem:s14], [sflag:$0x4], $0x4000, $0x38;
	[tilespmem:$0x8800] =	vst v63  }
0x123: {  	_ =	swait.ge [sflag:s15], $0x4000  }
0x124: {  	s31 =	simm.s32 $0x10;
	[sflag:s15] =	ssyncset.done $0x0  }
0x125: {  	s18 =	sand.u32 $0x1F0, s31;
	[sflag:s15] =	ssyncadd.s32 $0xFFFFC000  }
0x126: {  	v17 =	vld [tilespmem:s18+$0x400];
	_ =	sdelay $0x4  }
0x127: {  	vm0 =	vgt.f32 v17, $0.0e+00  }
0x128: {  	v17 =	vsel vm0, $0x3F800000, v0  }
0x129: {  	v18 =	vperm.xlane v17, v16  }
0x12a: {  	s18 =	simm.s32 $0xA00;
	v19 =	vperm.xlane v17, v1  }
0x12b: {  	[tilespmem:s18+$0x1F0] =	vst v18  }
0x12c: {  	v20 =	vperm.xlane v17, v2;
	[tilespmem:s18+$0x0] =	vst v19  }
0x12d: {  	[tilespmem:s18+$0x10] =	vst v19  }
0x12e: {  	v21 =	vperm.xlane v17, v13;
	[tilespmem:s18+$0x20] =	vst v20  }
0x12f: {  	v19 =	vperm.xlane v17, v3;
	[tilespmem:s18+$0x30] =	vst v20  }
0x130: {  	[tilespmem:s18+$0x180] =	vst v21  }
0x131: {  	v20 =	vperm.xlane v17, v4;
	[tilespmem:s18+$0x40] =	vst v19  }
0x132: {  	[tilespmem:s18+$0x50] =	vst v19  }
0x133: {  	v19 =	vperm.xlane v17, v5;
	[tilespmem:s18+$0x60] =	vst v20  }
0x134: {  	[tilespmem:s18+$0x70] =	vst v20  }
0x135: {  	v20 =	vperm.xlane v17, v6;
	[tilespmem:s18+$0x80] =	vst v19  }
0x136: {  	[tilespmem:s18+$0x90] =	vst v19  }
0x137: {  	v19 =	vperm.xlane v17, v7;
	[tilespmem:s18+$0xA0] =	vst v20  }
0x138: {  	[tilespmem:s18+$0xB0] =	vst v20  }
0x139: {  	v20 =	vperm.xlane v17, v8;
	[tilespmem:s18+$0xC0] =	vst v19  }
0x13a: {  	[tilespmem:s18+$0xD0] =	vst v19  }
0x13b: {  	v19 =	vperm.xlane v17, v9;
	[tilespmem:s18+$0xE0] =	vst v20  }
0x13c: {  	[tilespmem:s18+$0xF0] =	vst v20  }
0x13d: {  	v20 =	vperm.xlane v17, v10;
	[tilespmem:s18+$0x100] =	vst v19  }
0x13e: {  	[tilespmem:s18+$0x110] =	vst v19  }
0x13f: {  	v19 =	vperm.xlane v17, v11;
	[tilespmem:s18+$0x120] =	vst v20  }
0x140: {  	[tilespmem:s18+$0x130] =	vst v20  }
0x141: {  	s19 =	sand.u32 $0x1E0, s19;
	[tilespmem:s18+$0x140] =	vst v19  }
0x142: {  	v20 =	vperm.xlane v17, v12;
	[tilespmem:s18+$0x150] =	vst v19;
	v19 =	vld [tilespmem:s19+$0x400]  }
0x143: {  	[tilespmem:s18+$0x190] =	vst v21  }
0x144: {  	[tilespmem:s18+$0x160] =	vst v20  }
0x145: {  	[tilespmem:s18+$0x170] =	vst v20;
	v20 =	vperm.xlane v17, v14  }
0x146: {  	[tilespmem:s18+$0x1E0] =	vst v18  }
0x147: {  	v17 =	vperm.xlane v17, v15;
	[tilespmem:s18+$0x1A0] =	vst v20;
	vm15 =	vgt.f32 v19, $0.0e+00  }
0x148: {  	[tilespmem:s18+$0x1B0] =	vst v20;
	v23 =	vsel vm15, $0x3F800000, v0  }
0x149: {  	[tilespmem:s18+$0x1C0] =	vst v17;
	v19 =	vperm.xlane v23, v1  }
0x14a: {  	[tilespmem:s18+$0x1D0] =	vst v17  }
0x14b: {  	v17 =	vperm.xlane v23, v2;
	[tilespmem:s18+$0xFFFFFE00] =	vst v19  }
0x14c: {  	[tilespmem:s18+$0xFFFFFE10] =	vst v19  }
0x14d: {  	v18 =	vperm.xlane v23, v3;
	[tilespmem:s18+$0xFFFFFE20] =	vst v17  }
0x14e: {  	[tilespmem:s18+$0xFFFFFE30] =	vst v17  }
0x14f: {  	v22 =	vperm.xlane v23, v11;
	[tilespmem:s18+$0xFFFFFE40] =	vst v18  }
0x150: {  	v17 =	vperm.xlane v23, v4;
	[tilespmem:s18+$0xFFFFFE50] =	vst v18  }
0x151: {  	[tilespmem:s18+$0xFFFFFF40] =	vst v22  }
0x152: {  	v18 =	vperm.xlane v23, v5;
	[tilespmem:s18+$0xFFFFFE60] =	vst v17  }
0x153: {  	[tilespmem:s18+$0xFFFFFE70] =	vst v17  }
0x154: {  	v17 =	vperm.xlane v23, v6;
	[tilespmem:s18+$0xFFFFFE80] =	vst v18  }
0x155: {  	[tilespmem:s18+$0xFFFFFE90] =	vst v18  }
0x156: {  	v18 =	vperm.xlane v23, v7;
	[tilespmem:s18+$0xFFFFFEA0] =	vst v17  }
0x157: {  	[tilespmem:s18+$0xFFFFFEB0] =	vst v17  }
0x158: {  	v17 =	vperm.xlane v23, v8;
	[tilespmem:s18+$0xFFFFFEC0] =	vst v18  }
0x159: {  	[tilespmem:s18+$0xFFFFFED0] =	vst v18  }
0x15a: {  	v18 =	vperm.xlane v23, v9;
	[tilespmem:s18+$0xFFFFFEE0] =	vst v17  }
0x15b: {  	[tilespmem:s18+$0xFFFFFEF0] =	vst v17  }
0x15c: {  	v17 =	vperm.xlane v23, v10;
	[tilespmem:s18+$0xFFFFFF00] =	vst v18  }
0x15d: {  	v21 =	vperm.xlane v23, v12;
	[tilespmem:s18+$0xFFFFFF10] =	vst v18  }
0x15e: {  	v20 =	vperm.xlane v23, v13;
	v19 =	vperm.xlane v23, v14;
	[tilespmem:s18+$0xFFFFFF20] =	vst v17  }
0x15f: {  	s20 =	simm.s32 $0x20;
	s19 =	simm.s32 $0x0;
	v18 =	vperm.xlane v23, v15;
	[tilespmem:s18+$0xFFFFFF30] =	vst v17;
	v17 =	vperm.xlane v23, v16  }
.LBB2_6:
0x160: {  	s21 =	sand.u32 $0x1E0, s20;
	s22 =	sadd.s32 $0x10, s20;
	s19 =	sadd.s32 $0x2, s19;
	[tilespmem:s18+$0xFFFFFF50] =	vst v22  }
0x161: {  	v22 =	vld [tilespmem:s21+$0x400];
	s21 =	sand.u32 $0x1F0, s22;
	p0 =	slt.u32 s19, $0x1E;
	[tilespmem:s18+$0xFFFFFF60] =	vst v21  }
0x162: {  	v23 =	vld [tilespmem:s21+$0x400];
	[tilespmem:s18+$0xFFFFFF70] =	vst v21  }
0x163: {  	[tilespmem:s18+$0xFFFFFF80] =	vst v20  }
0x164: {  	[tilespmem:s18+$0xFFFFFF90] =	vst v20  }
0x165: {  	[tilespmem:s18+$0xFFFFFFA0] =	vst v19  }
0x166: {  	vm0 =	vgt.f32 v22, $0.0e+00;
	[tilespmem:s18+$0xFFFFFFB0] =	vst v19  }
0x167: {  	v24 =	vsel vm0, $0x3F800000, v0;
	vm0 =	vgt.f32 v23, $0.0e+00;
	[tilespmem:s18+$0xFFFFFFC0] =	vst v18  }
0x168: {  	v23 =	vperm.xlane v24, v1;
	v25 =	vperm.xlane v24, v2;
	v19 =	vsel vm0, $0x3F800000, v0;
	[tilespmem:s18+$0xFFFFFFD0] =	vst v18  }
0x169: {  	v18 =	vperm.xlane v19, v1;
	v26 =	vperm.xlane v19, v16;
	[tilespmem:s18+$0xFFFFFFE0] =	vst v17  }
0x16a: {  	v20 =	vperm.xlane v19, v2;
	v21 =	vperm.xlane v19, v3;
	[tilespmem:s18+$0xFFFFFFF0] =	vst v17;
	s18 =	sadd.s32 $0x400, s18  }
0x16b: {  	v27 =	vperm.xlane v19, v5;
	v17 =	vperm.xlane v19, v4;
	[tilespmem:s18+$0x1F0] =	vst v26  }
0x16c: {  	v28 =	vperm.xlane v19, v6;
	v29 =	vperm.xlane v19, v7;
	[tilespmem:s18+$0x0] =	vst v18  }
0x16d: {  	v30 =	vperm.xlane v19, v8;
	v31 =	vperm.xlane v19, v9;
	[tilespmem:s18+$0x10] =	vst v18  }
0x16e: {  	v32 =	vperm.xlane v19, v10;
	v33 =	vperm.xlane v19, v11;
	[tilespmem:s18+$0x20] =	vst v20  }
0x16f: {  	v34 =	vperm.xlane v19, v12;
	v35 =	vperm.xlane v19, v13;
	[tilespmem:s18+$0x30] =	vst v20  }
0x170: {  	v36 =	vperm.xlane v19, v14;
	v37 =	vperm.xlane v19, v15;
	[tilespmem:s18+$0x40] =	vst v21  }
0x171: {  	v38 =	vperm.xlane v24, v3;
	v39 =	vperm.xlane v24, v4;
	[tilespmem:s18+$0x50] =	vst v21  }
0x172: {  	v40 =	vperm.xlane v24, v5;
	v41 =	vperm.xlane v24, v6;
	[tilespmem:s18+$0x60] =	vst v17  }
0x173: {  	v42 =	vperm.xlane v24, v7;
	v43 =	vperm.xlane v24, v8;
	[tilespmem:s18+$0x70] =	vst v17  }
0x174: {  	v44 =	vperm.xlane v24, v9;
	v45 =	vperm.xlane v24, v10;
	[tilespmem:s18+$0x80] =	vst v27  }
0x175: {  	v22 =	vperm.xlane v24, v11;
	v21 =	vperm.xlane v24, v12;
	[tilespmem:s18+$0x90] =	vst v27  }
0x176: {  	v19 =	vperm.xlane v24, v14;
	v20 =	vperm.xlane v24, v13;
	[tilespmem:s18+$0xA0] =	vst v28  }
0x177: {  	v18 =	vperm.xlane v24, v15;
	v17 =	vperm.xlane v24, v16;
	[tilespmem:s18+$0xB0] =	vst v28  }
0x178: {  	[tilespmem:s18+$0xC0] =	vst v29  }
0x179: {  	[tilespmem:s18+$0xD0] =	vst v29  }
0x17a: {  	[tilespmem:s18+$0xE0] =	vst v30  }
0x17b: {  	[tilespmem:s18+$0xF0] =	vst v30  }
0x17c: {  	[tilespmem:s18+$0x100] =	vst v31  }
0x17d: {  	[tilespmem:s18+$0x110] =	vst v31  }
0x17e: {  	[tilespmem:s18+$0x120] =	vst v32  }
0x17f: {  	[tilespmem:s18+$0x130] =	vst v32  }
0x180: {  	[tilespmem:s18+$0x140] =	vst v33  }
0x181: {  	[tilespmem:s18+$0x150] =	vst v33  }
0x182: {  	[tilespmem:s18+$0x160] =	vst v34  }
0x183: {  	[tilespmem:s18+$0x170] =	vst v34  }
0x184: {  	[tilespmem:s18+$0x180] =	vst v35  }
0x185: {  	[tilespmem:s18+$0x190] =	vst v35  }
0x186: {  	[tilespmem:s18+$0x1A0] =	vst v36  }
0x187: {  	[tilespmem:s18+$0x1B0] =	vst v36  }
0x188: {  	[tilespmem:s18+$0x1C0] =	vst v37  }
0x189: {  	[tilespmem:s18+$0x1D0] =	vst v37  }
0x18a: {  	[tilespmem:s18+$0x1E0] =	vst v26  }
0x18b: {  	[tilespmem:s18+$0xFFFFFE00] =	vst v23  }
0x18c: {  	[tilespmem:s18+$0xFFFFFE10] =	vst v23  }
0x18d: {  	[tilespmem:s18+$0xFFFFFE20] =	vst v25  }
0x18e: {  	[tilespmem:s18+$0xFFFFFE30] =	vst v25  }
0x18f: {  	[tilespmem:s18+$0xFFFFFE40] =	vst v38  }
0x190: {  	[tilespmem:s18+$0xFFFFFE50] =	vst v38  }
0x191: {  	[tilespmem:s18+$0xFFFFFE60] =	vst v39  }
0x192: {  	[tilespmem:s18+$0xFFFFFE70] =	vst v39  }
0x193: {  	[tilespmem:s18+$0xFFFFFE80] =	vst v40  }
0x194: {  	[tilespmem:s18+$0xFFFFFE90] =	vst v40  }
0x195: {  	[tilespmem:s18+$0xFFFFFEA0] =	vst v41  }
0x196: {  	[tilespmem:s18+$0xFFFFFEB0] =	vst v41  }
0x197: {  	[tilespmem:s18+$0xFFFFFEC0] =	vst v42  }
0x198: {  	[tilespmem:s18+$0xFFFFFED0] =	vst v42  }
0x199: {  	[tilespmem:s18+$0xFFFFFEE0] =	vst v43  }
0x19a: {  	[tilespmem:s18+$0xFFFFFEF0] =	vst v43  }
.Ltmp2:
0x19b: {  	[tilespmem:s18+$0xFFFFFF00] =	vst v44;
	(pc) =	sbr.rel @p0 .LBB2_6-.Ltmp2, $4  }
0x19c: {  	[tilespmem:s18+$0xFFFFFF10] =	vst v44  }
0x19d: {  	[tilespmem:s18+$0xFFFFFF20] =	vst v45  }
0x19e: {  	[tilespmem:s18+$0xFFFFFF30] =	vst v45  }
0x19f: {  	s20 =	sadd.s32 $0x20, s20;
	[tilespmem:s18+$0xFFFFFF40] =	vst v22  }
0x1a0: {  	[tilespmem:s18+$0xFFFFFF50] =	vst v22  }
0x1a1: {  	[tilespmem:s18+$0xFFFFFF60] =	vst v21  }
0x1a2: {  	[tilespmem:s18+$0xFFFFFF70] =	vst v21  }
0x1a3: {  	[tilespmem:s18+$0xFFFFFF80] =	vst v20  }
0x1a4: {  	[tilespmem:s18+$0xFFFFFF90] =	vst v20  }
0x1a5: {  	[tilespmem:s18+$0xFFFFFFA0] =	vst v19  }
0x1a6: {  	[tilespmem:s18+$0xFFFFFFB0] =	vst v19  }
0x1a7: {  	[tilespmem:s18+$0xFFFFFFC0] =	vst v18  }
0x1a8: {  	[tilespmem:s18+$0xFFFFFFD0] =	vst v18  }
0x1a9: {  	[tilespmem:s18+$0xFFFFFFE0] =	vst v17  }
0x1aa: {  	[tilespmem:s18+$0xFFFFFFF0] =	vst v17;
	s19 =	simm.s32 $0x0  }
0x1ab: {  	[hbm4b:s7+s19] =	stream.linear.scatter [tilespmem:s12], [sflag:$0x3], $0x4000, $0x38;
	[tilespmem:$0x8800] =	vst v63  }
0x1ac: {  	_ =	swait.ge [sflag:s16], $0x4000  }
0x1ad: {  	s31 =	simm.s32 $0x10;
	[sflag:s16] =	ssyncset.done $0x0  }
0x1ae: {  	s18 =	sand.u32 $0x1F0, s31;
	[sflag:s16] =	ssyncadd.s32 $0xFFFFC000  }
0x1af: {  	v17 =	vld [tilespmem:s18+$0x600];
	_ =	sdelay $0x4  }
0x1b0: {  	vm0 =	vgt.f32 v17, $0.0e+00  }
0x1b1: {  	v17 =	vsel vm0, $0x3F800000, v0  }
0x1b2: {  	v18 =	vperm.xlane v17, v16  }
0x1b3: {  	s18 =	simm.s32 $0x4A00;
	v19 =	vperm.xlane v17, v1  }
0x1b4: {  	[tilespmem:s18+$0x1F0] =	vst v18  }
0x1b5: {  	v20 =	vperm.xlane v17, v2;
	[tilespmem:s18+$0x0] =	vst v19  }
0x1b6: {  	[tilespmem:s18+$0x10] =	vst v19  }
0x1b7: {  	v21 =	vperm.xlane v17, v13;
	[tilespmem:s18+$0x20] =	vst v20  }
0x1b8: {  	v19 =	vperm.xlane v17, v3;
	[tilespmem:s18+$0x30] =	vst v20  }
0x1b9: {  	[tilespmem:s18+$0x180] =	vst v21  }
0x1ba: {  	v20 =	vperm.xlane v17, v4;
	[tilespmem:s18+$0x40] =	vst v19  }
0x1bb: {  	[tilespmem:s18+$0x50] =	vst v19  }
0x1bc: {  	v19 =	vperm.xlane v17, v5;
	[tilespmem:s18+$0x60] =	vst v20  }
0x1bd: {  	[tilespmem:s18+$0x70] =	vst v20  }
0x1be: {  	v20 =	vperm.xlane v17, v6;
	[tilespmem:s18+$0x80] =	vst v19  }
0x1bf: {  	[tilespmem:s18+$0x90] =	vst v19  }
0x1c0: {  	v19 =	vperm.xlane v17, v7;
	[tilespmem:s18+$0xA0] =	vst v20  }
0x1c1: {  	[tilespmem:s18+$0xB0] =	vst v20  }
0x1c2: {  	v20 =	vperm.xlane v17, v8;
	[tilespmem:s18+$0xC0] =	vst v19  }
0x1c3: {  	[tilespmem:s18+$0xD0] =	vst v19  }
0x1c4: {  	v19 =	vperm.xlane v17, v9;
	[tilespmem:s18+$0xE0] =	vst v20  }
0x1c5: {  	[tilespmem:s18+$0xF0] =	vst v20  }
0x1c6: {  	v20 =	vperm.xlane v17, v10;
	[tilespmem:s18+$0x100] =	vst v19  }
0x1c7: {  	[tilespmem:s18+$0x110] =	vst v19  }
0x1c8: {  	v19 =	vperm.xlane v17, v11;
	[tilespmem:s18+$0x120] =	vst v20  }
0x1c9: {  	[tilespmem:s18+$0x130] =	vst v20  }
0x1ca: {  	s19 =	sand.u32 $0x1E0, s19;
	[tilespmem:s18+$0x140] =	vst v19  }
0x1cb: {  	v20 =	vperm.xlane v17, v12;
	[tilespmem:s18+$0x150] =	vst v19;
	v19 =	vld [tilespmem:s19+$0x600]  }
0x1cc: {  	[tilespmem:s18+$0x190] =	vst v21  }
0x1cd: {  	[tilespmem:s18+$0x160] =	vst v20  }
0x1ce: {  	[tilespmem:s18+$0x170] =	vst v20;
	v20 =	vperm.xlane v17, v14  }
0x1cf: {  	[tilespmem:s18+$0x1E0] =	vst v18  }
0x1d0: {  	v17 =	vperm.xlane v17, v15;
	[tilespmem:s18+$0x1A0] =	vst v20;
	vm15 =	vgt.f32 v19, $0.0e+00  }
0x1d1: {  	[tilespmem:s18+$0x1B0] =	vst v20;
	v23 =	vsel vm15, $0x3F800000, v0  }
0x1d2: {  	[tilespmem:s18+$0x1C0] =	vst v17;
	v19 =	vperm.xlane v23, v1  }
0x1d3: {  	[tilespmem:s18+$0x1D0] =	vst v17  }
0x1d4: {  	v17 =	vperm.xlane v23, v2;
	[tilespmem:s18+$0xFFFFFE00] =	vst v19  }
0x1d5: {  	[tilespmem:s18+$0xFFFFFE10] =	vst v19  }
0x1d6: {  	v18 =	vperm.xlane v23, v3;
	[tilespmem:s18+$0xFFFFFE20] =	vst v17  }
0x1d7: {  	[tilespmem:s18+$0xFFFFFE30] =	vst v17  }
0x1d8: {  	v22 =	vperm.xlane v23, v11;
	[tilespmem:s18+$0xFFFFFE40] =	vst v18  }
0x1d9: {  	v17 =	vperm.xlane v23, v4;
	[tilespmem:s18+$0xFFFFFE50] =	vst v18  }
0x1da: {  	[tilespmem:s18+$0xFFFFFF40] =	vst v22  }
0x1db: {  	v18 =	vperm.xlane v23, v5;
	[tilespmem:s18+$0xFFFFFE60] =	vst v17  }
0x1dc: {  	[tilespmem:s18+$0xFFFFFE70] =	vst v17  }
0x1dd: {  	v17 =	vperm.xlane v23, v6;
	[tilespmem:s18+$0xFFFFFE80] =	vst v18  }
0x1de: {  	[tilespmem:s18+$0xFFFFFE90] =	vst v18  }
0x1df: {  	v18 =	vperm.xlane v23, v7;
	[tilespmem:s18+$0xFFFFFEA0] =	vst v17  }
0x1e0: {  	[tilespmem:s18+$0xFFFFFEB0] =	vst v17  }
0x1e1: {  	v17 =	vperm.xlane v23, v8;
	[tilespmem:s18+$0xFFFFFEC0] =	vst v18  }
0x1e2: {  	[tilespmem:s18+$0xFFFFFED0] =	vst v18  }
0x1e3: {  	v18 =	vperm.xlane v23, v9;
	[tilespmem:s18+$0xFFFFFEE0] =	vst v17  }
0x1e4: {  	[tilespmem:s18+$0xFFFFFEF0] =	vst v17  }
0x1e5: {  	v17 =	vperm.xlane v23, v10;
	[tilespmem:s18+$0xFFFFFF00] =	vst v18  }
0x1e6: {  	v21 =	vperm.xlane v23, v12;
	[tilespmem:s18+$0xFFFFFF10] =	vst v18  }
0x1e7: {  	v20 =	vperm.xlane v23, v13;
	v19 =	vperm.xlane v23, v14;
	[tilespmem:s18+$0xFFFFFF20] =	vst v17  }
0x1e8: {  	s20 =	simm.s32 $0x20;
	s19 =	simm.s32 $0x0;
	v18 =	vperm.xlane v23, v15;
	[tilespmem:s18+$0xFFFFFF30] =	vst v17;
	v17 =	vperm.xlane v23, v16  }
.LBB2_8:
0x1e9: {  	s21 =	sand.u32 $0x1E0, s20;
	s22 =	sadd.s32 $0x10, s20;
	s19 =	sadd.s32 $0x2, s19;
	[tilespmem:s18+$0xFFFFFF50] =	vst v22  }
0x1ea: {  	v22 =	vld [tilespmem:s21+$0x600];
	s21 =	sand.u32 $0x1F0, s22;
	p0 =	slt.u32 s19, $0x1E;
	[tilespmem:s18+$0xFFFFFF60] =	vst v21  }
0x1eb: {  	v23 =	vld [tilespmem:s21+$0x600];
	[tilespmem:s18+$0xFFFFFF70] =	vst v21  }
0x1ec: {  	[tilespmem:s18+$0xFFFFFF80] =	vst v20  }
0x1ed: {  	[tilespmem:s18+$0xFFFFFF90] =	vst v20  }
0x1ee: {  	[tilespmem:s18+$0xFFFFFFA0] =	vst v19  }
0x1ef: {  	vm0 =	vgt.f32 v22, $0.0e+00;
	[tilespmem:s18+$0xFFFFFFB0] =	vst v19  }
0x1f0: {  	v24 =	vsel vm0, $0x3F800000, v0;
	vm0 =	vgt.f32 v23, $0.0e+00;
	[tilespmem:s18+$0xFFFFFFC0] =	vst v18  }
0x1f1: {  	v23 =	vperm.xlane v24, v1;
	v25 =	vperm.xlane v24, v2;
	v19 =	vsel vm0, $0x3F800000, v0;
	[tilespmem:s18+$0xFFFFFFD0] =	vst v18  }
0x1f2: {  	v18 =	vperm.xlane v19, v1;
	v26 =	vperm.xlane v19, v16;
	[tilespmem:s18+$0xFFFFFFE0] =	vst v17  }
0x1f3: {  	v20 =	vperm.xlane v19, v2;
	v21 =	vperm.xlane v19, v3;
	[tilespmem:s18+$0xFFFFFFF0] =	vst v17;
	s18 =	sadd.s32 $0x400, s18  }
0x1f4: {  	v27 =	vperm.xlane v19, v5;
	v17 =	vperm.xlane v19, v4;
	[tilespmem:s18+$0x1F0] =	vst v26  }
0x1f5: {  	v28 =	vperm.xlane v19, v6;
	v29 =	vperm.xlane v19, v7;
	[tilespmem:s18+$0x0] =	vst v18  }
0x1f6: {  	v30 =	vperm.xlane v19, v8;
	v31 =	vperm.xlane v19, v9;
	[tilespmem:s18+$0x10] =	vst v18  }
0x1f7: {  	v32 =	vperm.xlane v19, v10;
	v33 =	vperm.xlane v19, v11;
	[tilespmem:s18+$0x20] =	vst v20  }
0x1f8: {  	v34 =	vperm.xlane v19, v12;
	v35 =	vperm.xlane v19, v13;
	[tilespmem:s18+$0x30] =	vst v20  }
0x1f9: {  	v36 =	vperm.xlane v19, v14;
	v37 =	vperm.xlane v19, v15;
	[tilespmem:s18+$0x40] =	vst v21  }
0x1fa: {  	v38 =	vperm.xlane v24, v3;
	v39 =	vperm.xlane v24, v4;
	[tilespmem:s18+$0x50] =	vst v21  }
0x1fb: {  	v40 =	vperm.xlane v24, v5;
	v41 =	vperm.xlane v24, v6;
	[tilespmem:s18+$0x60] =	vst v17  }
0x1fc: {  	v42 =	vperm.xlane v24, v7;
	v43 =	vperm.xlane v24, v8;
	[tilespmem:s18+$0x70] =	vst v17  }
0x1fd: {  	v44 =	vperm.xlane v24, v9;
	v45 =	vperm.xlane v24, v10;
	[tilespmem:s18+$0x80] =	vst v27  }
0x1fe: {  	v22 =	vperm.xlane v24, v11;
	v21 =	vperm.xlane v24, v12;
	[tilespmem:s18+$0x90] =	vst v27  }
0x1ff: {  	v19 =	vperm.xlane v24, v14;
	v20 =	vperm.xlane v24, v13;
	[tilespmem:s18+$0xA0] =	vst v28  }
0x200: {  	v18 =	vperm.xlane v24, v15;
	v17 =	vperm.xlane v24, v16;
	[tilespmem:s18+$0xB0] =	vst v28  }
0x201: {  	[tilespmem:s18+$0xC0] =	vst v29  }
0x202: {  	[tilespmem:s18+$0xD0] =	vst v29  }
0x203: {  	[tilespmem:s18+$0xE0] =	vst v30  }
0x204: {  	[tilespmem:s18+$0xF0] =	vst v30  }
0x205: {  	[tilespmem:s18+$0x100] =	vst v31  }
0x206: {  	[tilespmem:s18+$0x110] =	vst v31  }
0x207: {  	[tilespmem:s18+$0x120] =	vst v32  }
0x208: {  	[tilespmem:s18+$0x130] =	vst v32  }
0x209: {  	[tilespmem:s18+$0x140] =	vst v33  }
0x20a: {  	[tilespmem:s18+$0x150] =	vst v33  }
0x20b: {  	[tilespmem:s18+$0x160] =	vst v34  }
0x20c: {  	[tilespmem:s18+$0x170] =	vst v34  }
0x20d: {  	[tilespmem:s18+$0x180] =	vst v35  }
0x20e: {  	[tilespmem:s18+$0x190] =	vst v35  }
0x20f: {  	[tilespmem:s18+$0x1A0] =	vst v36  }
0x210: {  	[tilespmem:s18+$0x1B0] =	vst v36  }
0x211: {  	[tilespmem:s18+$0x1C0] =	vst v37  }
0x212: {  	[tilespmem:s18+$0x1D0] =	vst v37  }
0x213: {  	[tilespmem:s18+$0x1E0] =	vst v26  }
0x214: {  	[tilespmem:s18+$0xFFFFFE00] =	vst v23  }
0x215: {  	[tilespmem:s18+$0xFFFFFE10] =	vst v23  }
0x216: {  	[tilespmem:s18+$0xFFFFFE20] =	vst v25  }
0x217: {  	[tilespmem:s18+$0xFFFFFE30] =	vst v25  }
0x218: {  	[tilespmem:s18+$0xFFFFFE40] =	vst v38  }
0x219: {  	[tilespmem:s18+$0xFFFFFE50] =	vst v38  }
0x21a: {  	[tilespmem:s18+$0xFFFFFE60] =	vst v39  }
0x21b: {  	[tilespmem:s18+$0xFFFFFE70] =	vst v39  }
0x21c: {  	[tilespmem:s18+$0xFFFFFE80] =	vst v40  }
0x21d: {  	[tilespmem:s18+$0xFFFFFE90] =	vst v40  }
0x21e: {  	[tilespmem:s18+$0xFFFFFEA0] =	vst v41  }
0x21f: {  	[tilespmem:s18+$0xFFFFFEB0] =	vst v41  }
0x220: {  	[tilespmem:s18+$0xFFFFFEC0] =	vst v42  }
0x221: {  	[tilespmem:s18+$0xFFFFFED0] =	vst v42  }
0x222: {  	[tilespmem:s18+$0xFFFFFEE0] =	vst v43  }
0x223: {  	[tilespmem:s18+$0xFFFFFEF0] =	vst v43  }
.Ltmp3:
0x224: {  	[tilespmem:s18+$0xFFFFFF00] =	vst v44;
	(pc) =	sbr.rel @p0 .LBB2_8-.Ltmp3, $4  }
0x225: {  	[tilespmem:s18+$0xFFFFFF10] =	vst v44  }
0x226: {  	[tilespmem:s18+$0xFFFFFF20] =	vst v45  }
0x227: {  	[tilespmem:s18+$0xFFFFFF30] =	vst v45  }
0x228: {  	s20 =	sadd.s32 $0x20, s20;
	[tilespmem:s18+$0xFFFFFF40] =	vst v22  }
0x229: {  	[tilespmem:s18+$0xFFFFFF50] =	vst v22  }
0x22a: {  	[tilespmem:s18+$0xFFFFFF60] =	vst v21  }
0x22b: {  	[tilespmem:s18+$0xFFFFFF70] =	vst v21  }
0x22c: {  	[tilespmem:s18+$0xFFFFFF80] =	vst v20  }
0x22d: {  	[tilespmem:s18+$0xFFFFFF90] =	vst v20  }
0x22e: {  	[tilespmem:s18+$0xFFFFFFA0] =	vst v19  }
0x22f: {  	[tilespmem:s18+$0xFFFFFFB0] =	vst v19  }
0x230: {  	[tilespmem:s18+$0xFFFFFFC0] =	vst v18  }
0x231: {  	[tilespmem:s18+$0xFFFFFFD0] =	vst v18  }
0x232: {  	[tilespmem:s18+$0xFFFFFFE0] =	vst v17  }
0x233: {  	[tilespmem:s18+$0xFFFFFFF0] =	vst v17;
	s17 =	sadd.s32 $0x1, s17  }
0x234: {  	[hbm4b:s8+s2] =	stream.linear.scatter [tilespmem:s14], [sflag:$0x4], $0x4000, $0x38;
	[tilespmem:$0x8800] =	vst v63  }
0x235: {  	p0 =	sne.s32 s17, s9;
	_ =	swait.ge [sflag:s15], $0x4000  }
.Ltmp4:
0x236: {  	[sflag:s15] =	ssyncset.done $0x0;
	(pc) =	sbr.rel @p0 .LBB2_1-.Ltmp4, $4  }
0x237: {  	[sflag:s15] =	ssyncadd.s32 $0xFFFFC000  }
0x238: {  	_ =	swait.ge [sflag:s16], $0x4000  }
0x239: {  	[sflag:s16] =	ssyncset.done $0x0  }
0x23a: {  	[sflag:s16] =	ssyncadd.s32 $0xFFFFC000  }
0x23b: {  	_ =	sfence.sel $0x180000  }
0x23c: {  	[bflag:$0x0] =	sbarrier.arrive $0xFFFF  }
0x23d: {  	p0 =	sne.s32 s1, $0x0;
	_ =	strace $0x90000047  }
0x23e: {  	s0 =	sadd.s32 @!p0 $0x100000, s0;
	[bflag:$0x2] =	sbarrier.arrive $0xFFFF  }
0x23f: {  	[sflag:s0] =	ssyncadd.tile.s32 @!p0 $0x1;
	_ =	shalt  }
.Lfunc_end2:
_tile_overlayer_lowered:
.L_overlay_start_2:
0x240: {  	(tag) =	ssettag $0x2  }
0x241: {  	s0 =	rddreg [dreg:$0x0];
	s2 =	stileid.u32  }
0x242: {  	s1 =	rddreg [dreg:$0x1];
	p0 =	sne.s32 s2, $0x0  }
0x243: {  	s3 =	rddreg [dreg:$0x2];
	[bflag:$0x3] =	sbarrier.arrive $0xFFFF;
	s2 =	simm.s32 @!p0 $0x1C05  }
0x244: {  	[timem:s3], [sflag:s2] =	dma.local @!p0 [hbm:s0], s1  }
0x245: {  	s0 =	simm.s32 @!p0 $0x5  }
0x246: {  	_ =	swait.ge @!p0 [sflag:s0], s1  }
0x247: {  	s1 =	ssub.s32 @!p0 $0x0, s1;
	[sflag:s0] =	ssyncset.done @!p0 $0x0  }
0x248: {  	[sflag:s0] =	ssyncadd.s32 @!p0 s1  }
0x249: {  	[bflag:$0x3] =	sbarrier.arrive $0xFFFF  }
0x24a: {  	_ =	shalt  }

</sc_bundles>
